<compile_context>
chip_gen: v7x
topology: tpu7x:2x2x1
jax: 0.10.2.dev20260603
libtpu: 0.0.44.dev20260713+nightly
codegen_flags: <defaults>
</compile_context>

<pallas_src>
import functools

import jax
import jax.numpy as jnp
from jax import lax
from jax.experimental import pallas as pl
from jax.experimental.pallas import tpu as pltpu

try:
    from jax.experimental.pallas import tpu_sc as plsc
except ImportError:
    plsc = None

DC_K = 8
CHUNK = 128
BLK_M = 16384
NEG = float("-inf")
EPS = 1e-6


def _cmax_body(q_ref, k_ref, out_ref, *, m_total, blk_m):
    g = pl.program_id(0)
    q = q_ref[...]
    qn = q / (jnp.sqrt(jnp.sum(q * q, axis=1, keepdims=True)) + EPS)
    k = k_ref[...]
    kn = k / (jnp.sqrt(jnp.sum(k * k, axis=1, keepdims=True)) + EPS)
    s = lax.dot_general(qn, kn, (((1,), (1,)), ((), ())),
                        preferred_element_type=jnp.float32)
    col = lax.broadcasted_iota(jnp.int32, (1, blk_m), 1)
    valid = m_total - g * blk_m
    s = jnp.where(col < valid, s, NEG)
    b = s.shape[0]
    cm = jnp.max(s.reshape(b, blk_m // CHUNK, CHUNK), axis=-1)
    out_ref[...] = cm


def _chunk_max(q, key_bank):
    b, d = q.shape
    m = key_bank.shape[0]
    nblk = -(-m // BLK_M)
    cpb = BLK_M // CHUNK
    ncp = nblk * cpb
    return pl.pallas_call(
        functools.partial(_cmax_body, m_total=m, blk_m=BLK_M),
        grid=(nblk,),
        in_specs=[
            pl.BlockSpec((b, d), lambda g: (0, 0)),
            pl.BlockSpec((BLK_M, d), lambda g: (g, 0)),
        ],
        out_specs=pl.BlockSpec((b, cpb), lambda g: (0, g)),
        out_shape=jax.ShapeDtypeStruct((b, ncp), jnp.float32),
    )(q, key_bank)


def _topchunk_body(cmax_ref, ids_ref, *, nchunks):
    v = cmax_ref[...]
    b, ncp = v.shape
    col = lax.broadcasted_iota(jnp.int32, (1, ncp), 1)
    v = jnp.where(col < nchunks, v, NEG)
    iota = lax.broadcasted_iota(jnp.int32, (b, ncp), 1)
    cols = []
    for _ in range(DC_K):
        mx = jnp.max(v, axis=1, keepdims=True)
        pos = jnp.min(jnp.where(v == mx, iota, ncp), axis=1, keepdims=True)
        cols.append(pos)
        v = jnp.where(iota == pos, NEG, v)
    ids = jnp.concatenate(cols, axis=1)
    ids_ref[...] = ids[:, None, :]


def _top_chunks(cmax, nchunks):
    b, ncp = cmax.shape
    out = pl.pallas_call(
        functools.partial(_topchunk_body, nchunks=nchunks),
        in_specs=[pl.BlockSpec((b, ncp), lambda: (0, 0))],
        out_specs=pl.BlockSpec((b, 1, DC_K), lambda: (0, 0, 0)),
        out_shape=jax.ShapeDtypeStruct((b, 1, DC_K), jnp.int32),
    )(cmax)
    return out.reshape(b, DC_K)


def _rescore_body(ids_ref, q_ref, *rest, m_total):
    krefs = rest[:DC_K]
    topi_ref = rest[DC_K]
    bq = pl.program_id(0)
    qb = q_ref[pl.ds(bq, 1), :]
    qn = qb / (jnp.sqrt(jnp.sum(qb * qb, axis=1, keepdims=True)) + EPS)
    pieces, gids = [], []
    lane = lax.broadcasted_iota(jnp.int32, (1, CHUNK), 1)
    for j in range(DC_K):
        kb = krefs[j][...]
        kn = kb / (jnp.sqrt(jnp.sum(kb * kb, axis=1, keepdims=True)) + EPS)
        s = lax.dot_general(qn, kn, (((1,), (1,)), ((), ())),
                            preferred_element_type=jnp.float32)
        gid = ids_ref[bq, j] * CHUNK + lane
        pieces.append(jnp.where(gid < m_total, s, NEG))
        gids.append(gid)
    s = jnp.concatenate(pieces, axis=1)
    g = jnp.concatenate(gids, axis=1)
    n = s.shape[1]
    iota = lax.broadcasted_iota(jnp.int32, (1, n), 1)
    cols = []
    for _ in range(DC_K):
        mx = jnp.max(s, axis=1, keepdims=True)
        pos = jnp.min(jnp.where(s == mx, iota, n), axis=1, keepdims=True)
        sel = iota == pos
        cols.append(jnp.sum(jnp.where(sel, g, 0), axis=1, keepdims=True))
        s = jnp.where(sel, NEG, s)
    topi = jnp.concatenate(cols, axis=1)
    topi_ref[...] = topi[:, None, :]


def _rescore(chunk_ids, q, key_bank):
    b, d = q.shape
    m = key_bank.shape[0]
    kspec = [
        pl.BlockSpec((CHUNK, d),
                     functools.partial(lambda j, bq, ids: (ids[bq, j], 0), j))
        for j in range(DC_K)
    ]
    grid_spec = pltpu.PrefetchScalarGridSpec(
        num_scalar_prefetch=1,
        grid=(b,),
        in_specs=[pl.BlockSpec((b, d), lambda bq, ids: (0, 0))] + kspec,
        out_specs=pl.BlockSpec((1, 1, DC_K), lambda bq, ids: (bq, 0, 0)),
    )
    out = pl.pallas_call(
        functools.partial(_rescore_body, m_total=m),
        grid_spec=grid_spec,
        out_shape=jax.ShapeDtypeStruct((b, 1, DC_K), jnp.int32),
    )(chunk_ids, q, *([key_bank] * DC_K))
    return out.reshape(b * DC_K)


def _gather_vals(val_bank, idx):
    n = idx.shape[0]
    d = val_bank.shape[1]
    info = plsc.get_sparse_core_info()
    nw = info.num_cores * info.num_subcores
    per_w = n // nw
    mesh = plsc.VectorSubcoreMesh(core_axis_name="c", subcore_axis_name="s")

    @functools.partial(
        pl.kernel,
        mesh=mesh,
        out_type=jax.ShapeDtypeStruct((n, d), jnp.float32),
        compiler_params=pltpu.CompilerParams(use_tc_tiling_on_sc=False),
        scratch_types=[
            pltpu.VMEM((per_w,), jnp.int32),
            pltpu.VMEM((per_w, d), jnp.float32),
            pltpu.SemaphoreType.DMA,
        ],
    )
    def gather(val_hbm, idx_hbm, out_hbm, idx_v, rows_v, sem):
        wid = lax.axis_index("s") * info.num_cores + lax.axis_index("c")
        base = wid * per_w
        pltpu.sync_copy(idx_hbm.at[pl.ds(base, per_w)], idx_v)
        pltpu.async_copy(val_hbm.at[idx_v], rows_v, sem).wait()
        pltpu.sync_copy(rows_v, out_hbm.at[pl.ds(base, per_w)])

    return gather(val_bank, idx)


def _project_body(v_ref, w_ref, out_ref):
    out_ref[...] = lax.dot_general(
        v_ref[...], w_ref[...], (((1,), (1,)), ((), ())),
        preferred_element_type=jnp.float32)


def _project(vals, w):
    n, d = vals.shape
    h = w.shape[0]
    return pl.pallas_call(
        _project_body,
        in_specs=[pl.BlockSpec((n, d), lambda: (0, 0)),
                  pl.BlockSpec((h, d), lambda: (0, 0))],
        out_specs=pl.BlockSpec((n, h), lambda: (0, 0)),
        out_shape=jax.ShapeDtypeStruct((n, h), jnp.float32),
    )(vals, w)


def kernel(q, key_bank, val_bank, W):
    b = q.shape[0]
    m = key_bank.shape[0]
    h = W.shape[0]
    nchunks = -(-m // CHUNK)
    cmax = _chunk_max(q, key_bank)
    chunk_ids = _top_chunks(cmax, nchunks)
    idx = _rescore(chunk_ids, q, key_bank)
    vals = _gather_vals(val_bank, idx)
    out = _project(vals, W)
    return out.reshape(b, DC_K, h)

# --- scband reference (transcript-rebuilt; emitter-appended) ---
"""Pipeline reference for scband-dynamic-cheatsheet-memory-70884140253259 (READ-ONLY COPY).

The authoritative reference and input builder live on the scoring server;
editing this copy changes nothing except your own understanding.
"""

import jax, jax.numpy as jnp
import numpy as np

DC_LEN = 8
MIN_RELEVANCE = 0.0

def setup_inputs(seed: int = 0) -> dict:
    key = jax.random.key(seed)
    k1, k2, k3, k4 = jax.random.split(key, 4)
    B, M, D, H = 32, 1000000, 64, 1024
    q = jax.random.normal(k1, (B, D), dtype=jnp.float32)
    key_bank = jax.random.normal(k2, (M, D), dtype=jnp.float32)
    val_bank = jax.random.normal(k3, (M, D), dtype=jnp.float32)
    W = jax.random.normal(k4, (H, D), dtype=jnp.float32) * 0.02
    return {"q": q, "key_bank": key_bank, "val_bank": val_bank, "W": W}

def reference(q, key_bank, val_bank, W):
    # cosine similarity: (B, M)
    qn = q / (jnp.linalg.norm(q, axis=-1, keepdims=True) + 1e-6)
    Kn = key_bank / (jnp.linalg.norm(key_bank, axis=-1, keepdims=True) + 1e-6)
    scores = qn @ Kn.T
    # top-k retrieval over the bank
    topv, topi = jax.lax.top_k(scores, k=DC_LEN)  # (B, k), (B, k)
    # gather retrieved value embeddings: (B, k, D)
    vals = val_bank[topi]
    if MIN_RELEVANCE > 0:
        mask = (topv >= MIN_RELEVANCE).astype(vals.dtype)[..., None]
        vals = vals * mask
    # linear projection (no bias): (B, k, H)
    dc_memory = vals @ W.T
    return dc_memory

if __name__ == "__main__":
    import jax
    _d = setup_inputs()
    print(jax.jit(kernel)(*tuple(_d.values())))

</pallas_src>

<mosaic_0001>
#map = affine_map<(d0, d1) -> (0, 0)>
#map1 = affine_map<(d0, d1) -> (0)>
module attributes {stable_mosaic.version = 14 : i64} {
  func.func @gather(%arg0: i32, %arg1: i32, %arg2: memref<1000000x64xf32, #tpu.memory_space<hbm>>, %arg3: memref<256xi32, #tpu.memory_space<hbm>>, %arg4: memref<256x64xf32, #tpu.memory_space<hbm>>, %arg5: memref<8xi32, #tpu.memory_space<vmem>>, %arg6: memref<8x64xf32, #tpu.memory_space<vmem>>, %arg7: memref<!tpu.dma_semaphore, #tpu.memory_space<semaphore_mem>>) attributes {dimension_semantics = [#tpu.dimension_semantics<core_parallel>, #tpu.dimension_semantics<subcore_parallel>], iteration_bounds = array<i64: 2, 16>, scalar_prefetch = 0 : i64, scratch_operands = 3 : i64, tpu.core_type = #tpu.core_type<sc_vector_subcore>, window_params = [{transform_indices = #map}, {transform_indices = #map1}, {transform_indices = #map}]} {
    %mul3A = arith.constant 2 : i32
    %mul3A_0 = arith.muli %arg1, %mul3A : i32
    %add3A = arith.addi %mul3A_0, %arg0 : i32
    %mul3A_1 = arith.constant 8 : i32
    %mul3A_2 = arith.muli %add3A, %mul3A_1 : i32
    "tpu.region"() ({
      %run_scoped3A = tpu.sem_alloc : memref<!tpu.dma_semaphore, #tpu.memory_space<semaphore_mem>>
      %dma_start3A_7 = tpu.memref_slice %arg3[%mul3A_2] : memref<256xi32, #tpu.memory_space<hbm>> -> memref<8xi32, #tpu.memory_space<hbm>>
      %dma_start3A_8 = tpu.memref_slice %arg3[%mul3A_2] : memref<256xi32, #tpu.memory_space<hbm>> -> memref<8xi32, #tpu.memory_space<hbm>>
      tpu.enqueue_dma source(%dma_start3A_8 : memref<8xi32, #tpu.memory_space<hbm>>) target(%arg5 : memref<8xi32, #tpu.memory_space<vmem>>) target_semaphore(%run_scoped3A : memref<!tpu.dma_semaphore, #tpu.memory_space<semaphore_mem>>)
      %dma_wait3A_9 = tpu.memref_slice %arg3[%mul3A_2] : memref<256xi32, #tpu.memory_space<hbm>> -> memref<8xi32, #tpu.memory_space<hbm>>
      %dma_wait3A_10 = tpu.memref_slice %arg3[%mul3A_2] : memref<256xi32, #tpu.memory_space<hbm>> -> memref<8xi32, #tpu.memory_space<hbm>>
      tpu.wait_dma2 semaphore(%run_scoped3A : memref<!tpu.dma_semaphore, #tpu.memory_space<semaphore_mem>>) src(%dma_wait3A_10 : memref<8xi32, #tpu.memory_space<hbm>>) dst(%arg5 : memref<8xi32, #tpu.memory_space<vmem>>)
      tpu.yield
    }) : () -> ()
    %dma_start3A = arith.constant 0 : i32
    %dma_start3A_3 = arith.constant 0 : i32
    %dma_start3A_4 = tpu.memref_slice %arg2[%dma_start3A, %dma_start3A_3] : memref<1000000x64xf32, #tpu.memory_space<hbm>> -> memref<1000000x64xf32, #tpu.memory_space<hbm>>
    tpu.enqueue_indirect_dma source(%dma_start3A_4 : memref<1000000x64xf32, #tpu.memory_space<hbm>>) target(%arg6 : memref<8x64xf32, #tpu.memory_space<vmem>>) offsets(%arg5 : memref<8xi32, #tpu.memory_space<vmem>>) semaphore(%arg7 : memref<!tpu.dma_semaphore, #tpu.memory_space<semaphore_mem>>)
    %dma_wait3A = arith.constant 0 : i32
    %dma_wait3A_5 = arith.constant 0 : i32
    %dma_wait3A_6 = tpu.memref_slice %arg2[%dma_wait3A, %dma_wait3A_5] : memref<1000000x64xf32, #tpu.memory_space<hbm>> -> memref<1000000x64xf32, #tpu.memory_space<hbm>>
    tpu.wait_indirect_dma semaphore(%arg7 : memref<!tpu.dma_semaphore, #tpu.memory_space<semaphore_mem>>) src(%dma_wait3A_6 : memref<1000000x64xf32, #tpu.memory_space<hbm>>) dst(%arg6 : memref<8x64xf32, #tpu.memory_space<vmem>>)
    "tpu.region"() ({
      %run_scoped3A = tpu.sem_alloc : memref<!tpu.dma_semaphore, #tpu.memory_space<semaphore_mem>>
      %dma_start3A_7 = arith.constant 0 : i32
      %dma_start3A_8 = tpu.memref_slice %arg4[%mul3A_2, %dma_start3A_7] : memref<256x64xf32, #tpu.memory_space<hbm>> -> memref<8x64xf32, #tpu.memory_space<hbm>>
      %dma_start3A_9 = arith.constant 0 : i32
      %dma_start3A_10 = tpu.memref_slice %arg4[%mul3A_2, %dma_start3A_9] : memref<256x64xf32, #tpu.memory_space<hbm>> -> memref<8x64xf32, #tpu.memory_space<hbm>>
      tpu.enqueue_dma source(%arg6 : memref<8x64xf32, #tpu.memory_space<vmem>>) target(%dma_start3A_10 : memref<8x64xf32, #tpu.memory_space<hbm>>) target_semaphore(%run_scoped3A : memref<!tpu.dma_semaphore, #tpu.memory_space<semaphore_mem>>)
      %dma_wait3A_11 = arith.constant 0 : i32
      %dma_wait3A_12 = tpu.memref_slice %arg4[%mul3A_2, %dma_wait3A_11] : memref<256x64xf32, #tpu.memory_space<hbm>> -> memref<8x64xf32, #tpu.memory_space<hbm>>
      %dma_wait3A_13 = arith.constant 0 : i32
      %dma_wait3A_14 = tpu.memref_slice %arg4[%mul3A_2, %dma_wait3A_13] : memref<256x64xf32, #tpu.memory_space<hbm>> -> memref<8x64xf32, #tpu.memory_space<hbm>>
      tpu.wait_dma2 semaphore(%run_scoped3A : memref<!tpu.dma_semaphore, #tpu.memory_space<semaphore_mem>>) src(%arg6 : memref<8x64xf32, #tpu.memory_space<vmem>>) dst(%dma_wait3A_14 : memref<8x64xf32, #tpu.memory_space<hbm>>)
      tpu.yield
    }) : () -> ()
    return
  }
}

module attributes {stable_mosaic.version = 14 : i64} {
  func.func @_topchunk_body(%arg0: memref<32x7936xf32, #tpu.memory_space<vmem>>, %arg1: memref<32x1x8xi32, #tpu.memory_space<vmem>>) attributes {dimension_semantics = [], scalar_prefetch = 0 : i64, scratch_operands = 0 : i64, tpu.core_type = #tpu.core_type<tc>} {
    %get3A = arith.constant 0 : index
    %get3A_0 = arith.constant 0 : index
    %get3A_1 = vector.load %arg0[%get3A, %get3A_0] : memref<32x7936xf32, #tpu.memory_space<vmem>>, vector<32x7936xf32>
    %iota3A = tpu.iota {dimensions = array<i32: 1>} : vector<1x7936xi32>
    %lt3A = arith.constant 7813 : i32
    %lt3A_2 = vector.broadcast %lt3A : i32 to vector<1x7936xi32>
    %lt3A_3 = arith.cmpi slt, %iota3A, %lt3A_2 : vector<1x7936xi32>
    %jit3A = arith.constant 0xFF800000 : f32
    %broadcast_in_dim3A = vector.shape_cast %lt3A_3 : vector<1x7936xi1> to vector<1x7936xi1>
    %broadcast_in_dim3A_4 = vector.broadcast %broadcast_in_dim3A : vector<1x7936xi1> to vector<32x7936xi1>
    %broadcast_in_dim3A_5 = vector.broadcast %jit3A : f32 to vector<32x7936xf32>
    %select_n3A = arith.select %broadcast_in_dim3A_4, %get3A_1, %broadcast_in_dim3A_5 : vector<32x7936xi1>, vector<32x7936xf32>
    %iota3A_6 = tpu.iota {dimensions = array<i32: 1>} : vector<32x7936xi32>
    %reduce_max3A = arith.constant dense<0xFF800000> : vector<32xf32>
    %reduce_max3A_7 = vector.multi_reduction <maximumf>, %select_n3A, %reduce_max3A [1] : vector<32x7936xf32> to vector<32xf32>
    %broadcast_in_dim3A_8 = vector.shape_cast %reduce_max3A_7 : vector<32xf32> to vector<32x1xf32>
    %eq3A = vector.broadcast %broadcast_in_dim3A_8 : vector<32x1xf32> to vector<32x7936xf32>
    %eq3A_9 = arith.cmpf oeq, %select_n3A, %eq3A : vector<32x7936xf32>
    %jit3A_10 = arith.constant 7936 : i32
    %broadcast_in_dim3A_11 = vector.broadcast %jit3A_10 : i32 to vector<32x7936xi32>
    %select_n3A_12 = arith.select %eq3A_9, %iota3A_6, %broadcast_in_dim3A_11 : vector<32x7936xi1>, vector<32x7936xi32>
    %reduce_min3A = arith.constant dense<2147483647> : vector<32xi32>
    %reduce_min3A_13 = vector.multi_reduction <minsi>, %select_n3A_12, %reduce_min3A [1] : vector<32x7936xi32> to vector<32xi32>
    %broadcast_in_dim3A_14 = vector.shape_cast %reduce_min3A_13 : vector<32xi32> to vector<32x1xi32>
    %eq3A_15 = vector.broadcast %broadcast_in_dim3A_14 : vector<32x1xi32> to vector<32x7936xi32>
    %eq3A_16 = arith.cmpi eq, %iota3A_6, %eq3A_15 : vector<32x7936xi32>
    %jit3A_17 = arith.constant 0xFF800000 : f32
    %broadcast_in_dim3A_18 = vector.broadcast %jit3A_17 : f32 to vector<32x7936xf32>
    %select_n3A_19 = arith.select %eq3A_16, %broadcast_in_dim3A_18, %select_n3A : vector<32x7936xi1>, vector<32x7936xf32>
    %reduce_max3A_20 = arith.constant dense<0xFF800000> : vector<32xf32>
    %reduce_max3A_21 = vector.multi_reduction <maximumf>, %select_n3A_19, %reduce_max3A_20 [1] : vector<32x7936xf32> to vector<32xf32>
    %broadcast_in_dim3A_22 = vector.shape_cast %reduce_max3A_21 : vector<32xf32> to vector<32x1xf32>
    %eq3A_23 = vector.broadcast %broadcast_in_dim3A_22 : vector<32x1xf32> to vector<32x7936xf32>
    %eq3A_24 = arith.cmpf oeq, %select_n3A_19, %eq3A_23 : vector<32x7936xf32>
    %jit3A_25 = arith.constant 7936 : i32
    %broadcast_in_dim3A_26 = vector.broadcast %jit3A_25 : i32 to vector<32x7936xi32>
    %select_n3A_27 = arith.select %eq3A_24, %iota3A_6, %broadcast_in_dim3A_26 : vector<32x7936xi1>, vector<32x7936xi32>
    %reduce_min3A_28 = arith.constant dense<2147483647> : vector<32xi32>
    %reduce_min3A_29 = vector.multi_reduction <minsi>, %select_n3A_27, %reduce_min3A_28 [1] : vector<32x7936xi32> to vector<32xi32>
    %broadcast_in_dim3A_30 = vector.shape_cast %reduce_min3A_29 : vector<32xi32> to vector<32x1xi32>
    %eq3A_31 = vector.broadcast %broadcast_in_dim3A_30 : vector<32x1xi32> to vector<32x7936xi32>
    %eq3A_32 = arith.cmpi eq, %iota3A_6, %eq3A_31 : vector<32x7936xi32>
    %jit3A_33 = arith.constant 0xFF800000 : f32
    %broadcast_in_dim3A_34 = vector.broadcast %jit3A_33 : f32 to vector<32x7936xf32>
    %select_n3A_35 = arith.select %eq3A_32, %broadcast_in_dim3A_34, %select_n3A_19 : vector<32x7936xi1>, vector<32x7936xf32>
    %reduce_max3A_36 = arith.constant dense<0xFF800000> : vector<32xf32>
    %reduce_max3A_37 = vector.multi_reduction <maximumf>, %select_n3A_35, %reduce_max3A_36 [1] : vector<32x7936xf32> to vector<32xf32>
    %broadcast_in_dim3A_38 = vector.shape_cast %reduce_max3A_37 : vector<32xf32> to vector<32x1xf32>
    %eq3A_39 = vector.broadcast %broadcast_in_dim3A_38 : vector<32x1xf32> to vector<32x7936xf32>
    %eq3A_40 = arith.cmpf oeq, %select_n3A_35, %eq3A_39 : vector<32x7936xf32>
    %jit3A_41 = arith.constant 7936 : i32
    %broadcast_in_dim3A_42 = vector.broadcast %jit3A_41 : i32 to vector<32x7936xi32>
    %select_n3A_43 = arith.select %eq3A_40, %iota3A_6, %broadcast_in_dim3A_42 : vector<32x7936xi1>, vector<32x7936xi32>
    %reduce_min3A_44 = arith.constant dense<2147483647> : vector<32xi32>
    %reduce_min3A_45 = vector.multi_reduction <minsi>, %select_n3A_43, %reduce_min3A_44 [1] : vector<32x7936xi32> to vector<32xi32>
    %broadcast_in_dim3A_46 = vector.shape_cast %reduce_min3A_45 : vector<32xi32> to vector<32x1xi32>
    %eq3A_47 = vector.broadcast %broadcast_in_dim3A_46 : vector<32x1xi32> to vector<32x7936xi32>
    %eq3A_48 = arith.cmpi eq, %iota3A_6, %eq3A_47 : vector<32x7936xi32>
    %jit3A_49 = arith.constant 0xFF800000 : f32
    %broadcast_in_dim3A_50 = vector.broadcast %jit3A_49 : f32 to vector<32x7936xf32>
    %select_n3A_51 = arith.select %eq3A_48, %broadcast_in_dim3A_50, %select_n3A_35 : vector<32x7936xi1>, vector<32x7936xf32>
    %reduce_max3A_52 = arith.constant dense<0xFF800000> : vector<32xf32>
    %reduce_max3A_53 = vector.multi_reduction <maximumf>, %select_n3A_51, %reduce_max3A_52 [1] : vector<32x7936xf32> to vector<32xf32>
    %broadcast_in_dim3A_54 = vector.shape_cast %reduce_max3A_53 : vector<32xf32> to vector<32x1xf32>
    %eq3A_55 = vector.broadcast %broadcast_in_dim3A_54 : vector<32x1xf32> to vector<32x7936xf32>
    %eq3A_56 = arith.cmpf oeq, %select_n3A_51, %eq3A_55 : vector<32x7936xf32>
    %jit3A_57 = arith.constant 7936 : i32
    %broadcast_in_dim3A_58 = vector.broadcast %jit3A_57 : i32 to vector<32x7936xi32>
    %select_n3A_59 = arith.select %eq3A_56, %iota3A_6, %broadcast_in_dim3A_58 : vector<32x7936xi1>, vector<32x7936xi32>
    %reduce_min3A_60 = arith.constant dense<2147483647> : vector<32xi32>
    %reduce_min3A_61 = vector.multi_reduction <minsi>, %select_n3A_59, %reduce_min3A_60 [1] : vector<32x7936xi32> to vector<32xi32>
    %broadcast_in_dim3A_62 = vector.shape_cast %reduce_min3A_61 : vector<32xi32> to vector<32x1xi32>
    %eq3A_63 = vector.broadcast %broadcast_in_dim3A_62 : vector<32x1xi32> to vector<32x7936xi32>
    %eq3A_64 = arith.cmpi eq, %iota3A_6, %eq3A_63 : vector<32x7936xi32>
    %jit3A_65 = arith.constant 0xFF800000 : f32
    %broadcast_in_dim3A_66 = vector.broadcast %jit3A_65 : f32 to vector<32x7936xf32>
    %select_n3A_67 = arith.select %eq3A_64, %broadcast_in_dim3A_66, %select_n3A_51 : vector<32x7936xi1>, vector<32x7936xf32>
    %reduce_max3A_68 = arith.constant dense<0xFF800000> : vector<32xf32>
    %reduce_max3A_69 = vector.multi_reduction <maximumf>, %select_n3A_67, %reduce_max3A_68 [1] : vector<32x7936xf32> to vector<32xf32>
    %broadcast_in_dim3A_70 = vector.shape_cast %reduce_max3A_69 : vector<32xf32> to vector<32x1xf32>
    %eq3A_71 = vector.broadcast %broadcast_in_dim3A_70 : vector<32x1xf32> to vector<32x7936xf32>
    %eq3A_72 = arith.cmpf oeq, %select_n3A_67, %eq3A_71 : vector<32x7936xf32>
    %jit3A_73 = arith.constant 7936 : i32
    %broadcast_in_dim3A_74 = vector.broadcast %jit3A_73 : i32 to vector<32x7936xi32>
    %select_n3A_75 = arith.select %eq3A_72, %iota3A_6, %broadcast_in_dim3A_74 : vector<32x7936xi1>, vector<32x7936xi32>
    %reduce_min3A_76 = arith.constant dense<2147483647> : vector<32xi32>
    %reduce_min3A_77 = vector.multi_reduction <minsi>, %select_n3A_75, %reduce_min3A_76 [1] : vector<32x7936xi32> to vector<32xi32>
    %broadcast_in_dim3A_78 = vector.shape_cast %reduce_min3A_77 : vector<32xi32> to vector<32x1xi32>
    %eq3A_79 = vector.broadcast %broadcast_in_dim3A_78 : vector<32x1xi32> to vector<32x7936xi32>
    %eq3A_80 = arith.cmpi eq, %iota3A_6, %eq3A_79 : vector<32x7936xi32>
    %jit3A_81 = arith.constant 0xFF800000 : f32
    %broadcast_in_dim3A_82 = vector.broadcast %jit3A_81 : f32 to vector<32x7936xf32>
    %select_n3A_83 = arith.select %eq3A_80, %broadcast_in_dim3A_82, %select_n3A_67 : vector<32x7936xi1>, vector<32x7936xf32>
    %reduce_max3A_84 = arith.constant dense<0xFF800000> : vector<32xf32>
    %reduce_max3A_85 = vector.multi_reduction <maximumf>, %select_n3A_83, %reduce_max3A_84 [1] : vector<32x7936xf32> to vector<32xf32>
    %broadcast_in_dim3A_86 = vector.shape_cast %reduce_max3A_85 : vector<32xf32> to vector<32x1xf32>
    %eq3A_87 = vector.broadcast %broadcast_in_dim3A_86 : vector<32x1xf32> to vector<32x7936xf32>
    %eq3A_88 = arith.cmpf oeq, %select_n3A_83, %eq3A_87 : vector<32x7936xf32>
    %jit3A_89 = arith.constant 7936 : i32
    %broadcast_in_dim3A_90 = vector.broadcast %jit3A_89 : i32 to vector<32x7936xi32>
    %select_n3A_91 = arith.select %eq3A_88, %iota3A_6, %broadcast_in_dim3A_90 : vector<32x7936xi1>, vector<32x7936xi32>
    %reduce_min3A_92 = arith.constant dense<2147483647> : vector<32xi32>
    %reduce_min3A_93 = vector.multi_reduction <minsi>, %select_n3A_91, %reduce_min3A_92 [1] : vector<32x7936xi32> to vector<32xi32>
    %broadcast_in_dim3A_94 = vector.shape_cast %reduce_min3A_93 : vector<32xi32> to vector<32x1xi32>
    %eq3A_95 = vector.broadcast %broadcast_in_dim3A_94 : vector<32x1xi32> to vector<32x7936xi32>
    %eq3A_96 = arith.cmpi eq, %iota3A_6, %eq3A_95 : vector<32x7936xi32>
    %jit3A_97 = arith.constant 0xFF800000 : f32
    %broadcast_in_dim3A_98 = vector.broadcast %jit3A_97 : f32 to vector<32x7936xf32>
    %select_n3A_99 = arith.select %eq3A_96, %broadcast_in_dim3A_98, %select_n3A_83 : vector<32x7936xi1>, vector<32x7936xf32>
    %reduce_max3A_100 = arith.constant dense<0xFF800000> : vector<32xf32>
    %reduce_max3A_101 = vector.multi_reduction <maximumf>, %select_n3A_99, %reduce_max3A_100 [1] : vector<32x7936xf32> to vector<32xf32>
    %broadcast_in_dim3A_102 = vector.shape_cast %reduce_max3A_101 : vector<32xf32> to vector<32x1xf32>
    %eq3A_103 = vector.broadcast %broadcast_in_dim3A_102 : vector<32x1xf32> to vector<32x7936xf32>
    %eq3A_104 = arith.cmpf oeq, %select_n3A_99, %eq3A_103 : vector<32x7936xf32>
    %jit3A_105 = arith.constant 7936 : i32
    %broadcast_in_dim3A_106 = vector.broadcast %jit3A_105 : i32 to vector<32x7936xi32>
    %select_n3A_107 = arith.select %eq3A_104, %iota3A_6, %broadcast_in_dim3A_106 : vector<32x7936xi1>, vector<32x7936xi32>
    %reduce_min3A_108 = arith.constant dense<2147483647> : vector<32xi32>
    %reduce_min3A_109 = vector.multi_reduction <minsi>, %select_n3A_107, %reduce_min3A_108 [1] : vector<32x7936xi32> to vector<32xi32>
    %broadcast_in_dim3A_110 = vector.shape_cast %reduce_min3A_109 : vector<32xi32> to vector<32x1xi32>
    %eq3A_111 = vector.broadcast %broadcast_in_dim3A_110 : vector<32x1xi32> to vector<32x7936xi32>
    %eq3A_112 = arith.cmpi eq, %iota3A_6, %eq3A_111 : vector<32x7936xi32>
    %jit3A_113 = arith.constant 0xFF800000 : f32
    %broadcast_in_dim3A_114 = vector.broadcast %jit3A_113 : f32 to vector<32x7936xf32>
    %select_n3A_115 = arith.select %eq3A_112, %broadcast_in_dim3A_114, %select_n3A_99 : vector<32x7936xi1>, vector<32x7936xf32>
    %reduce_max3A_116 = arith.constant dense<0xFF800000> : vector<32xf32>
    %reduce_max3A_117 = vector.multi_reduction <maximumf>, %select_n3A_115, %reduce_max3A_116 [1] : vector<32x7936xf32> to vector<32xf32>
    %broadcast_in_dim3A_118 = vector.shape_cast %reduce_max3A_117 : vector<32xf32> to vector<32x1xf32>
    %eq3A_119 = vector.broadcast %broadcast_in_dim3A_118 : vector<32x1xf32> to vector<32x7936xf32>
    %eq3A_120 = arith.cmpf oeq, %select_n3A_115, %eq3A_119 : vector<32x7936xf32>
    %jit3A_121 = arith.constant 7936 : i32
    %broadcast_in_dim3A_122 = vector.broadcast %jit3A_121 : i32 to vector<32x7936xi32>
    %select_n3A_123 = arith.select %eq3A_120, %iota3A_6, %broadcast_in_dim3A_122 : vector<32x7936xi1>, vector<32x7936xi32>
    %reduce_min3A_124 = arith.constant dense<2147483647> : vector<32xi32>
    %reduce_min3A_125 = vector.multi_reduction <minsi>, %select_n3A_123, %reduce_min3A_124 [1] : vector<32x7936xi32> to vector<32xi32>
    %broadcast_in_dim3A_126 = vector.shape_cast %reduce_min3A_125 : vector<32xi32> to vector<32x1xi32>
    %concatenate3A = tpu.concatenate %broadcast_in_dim3A_14, %broadcast_in_dim3A_30, %broadcast_in_dim3A_46, %broadcast_in_dim3A_62, %broadcast_in_dim3A_78, %broadcast_in_dim3A_94, %broadcast_in_dim3A_110, %broadcast_in_dim3A_126 in 1 : vector<32x1xi32>, vector<32x1xi32>, vector<32x1xi32>, vector<32x1xi32>, vector<32x1xi32>, vector<32x1xi32>, vector<32x1xi32>, vector<32x1xi32> -> vector<32x8xi32>
    %broadcast_in_dim3A_127 = vector.shape_cast %concatenate3A : vector<32x8xi32> to vector<32x1x8xi32>
    %swap3A = arith.constant 0 : index
    %swap3A_128 = arith.constant 0 : index
    %swap3A_129 = arith.constant 0 : index
    %swap3A_130 = vector.load %arg1[%swap3A, %swap3A_128, %swap3A_129] : memref<32x1x8xi32, #tpu.memory_space<vmem>>, vector<32x1x8xi32>
    tpu.vector_store %arg1[%swap3A, %swap3A_128, %swap3A_129], %broadcast_in_dim3A_127 {strides = array<i32>} : memref<32x1x8xi32, #tpu.memory_space<vmem>>, vector<32x1x8xi32>,
    return
  }
}

module attributes {stable_mosaic.version = 14 : i64} {
  func.func @_cmax_body(%arg0: i32, %arg1: memref<32x64xf32, #tpu.memory_space<vmem>>, %arg2: memref<16384x64xf32, #tpu.memory_space<vmem>>, %arg3: memref<32x128xf32, #tpu.memory_space<vmem>>) attributes {dimension_semantics = [#tpu.dimension_semantics<arbitrary>], iteration_bounds = array<i64: 62>, scalar_prefetch = 0 : i64, scratch_operands = 0 : i64, tpu.core_type = #tpu.core_type<tc>, window_params = [{pipeline_mode = #tpu.pipeline_mode<synchronous>, transform_indices = @transform_0, window_bounds = array<i64: 32, 64>}, {transform_indices = @transform_1, window_bounds = array<i64: 16384, 64>}, {transform_indices = @transform_2, window_bounds = array<i64: 32, 128>}]} {
    %get3A = arith.constant 0 : index
    %get3A_0 = arith.constant 0 : index
    %get3A_1 = vector.load %arg1[%get3A, %get3A_0] : memref<32x64xf32, #tpu.memory_space<vmem>>, vector<32x64xf32>
    %mul3A = arith.mulf %get3A_1, %get3A_1 : vector<32x64xf32>
    %reduce_sum3A = arith.constant dense<0.000000e+00> : vector<32xf32>
    %reduce_sum3A_2 = vector.multi_reduction <add>, %mul3A, %reduce_sum3A [1] : vector<32x64xf32> to vector<32xf32>
    %broadcast_in_dim3A = vector.shape_cast %reduce_sum3A_2 : vector<32xf32> to vector<32x1xf32>
    %sqrt3A = math.sqrt %broadcast_in_dim3A : vector<32x1xf32>
    %add3A = arith.constant 9.99999997E-7 : f32
    %add3A_3 = vector.broadcast %add3A : f32 to vector<32x1xf32>
    %add3A_4 = arith.addf %sqrt3A, %add3A_3 : vector<32x1xf32>
    %div3A = vector.broadcast %add3A_4 : vector<32x1xf32> to vector<32x64xf32>
    %div3A_5 = arith.divf %get3A_1, %div3A : vector<32x64xf32>
    %get3A_6 = arith.constant 0 : index
    %get3A_7 = arith.constant 0 : index
    %get3A_8 = vector.load %arg2[%get3A_6, %get3A_7] : memref<16384x64xf32, #tpu.memory_space<vmem>>, vector<16384x64xf32>
    %mul3A_9 = arith.mulf %get3A_8, %get3A_8 : vector<16384x64xf32>
    %reduce_sum3A_10 = arith.constant dense<0.000000e+00> : vector<16384xf32>
    %reduce_sum3A_11 = vector.multi_reduction <add>, %mul3A_9, %reduce_sum3A_10 [1] : vector<16384x64xf32> to vector<16384xf32>
    %broadcast_in_dim3A_12 = vector.shape_cast %reduce_sum3A_11 : vector<16384xf32> to vector<16384x1xf32>
    %sqrt3A_13 = math.sqrt %broadcast_in_dim3A_12 : vector<16384x1xf32>
    %add3A_14 = arith.constant 9.99999997E-7 : f32
    %add3A_15 = vector.broadcast %add3A_14 : f32 to vector<16384x1xf32>
    %add3A_16 = arith.addf %sqrt3A_13, %add3A_15 : vector<16384x1xf32>
    %div3A_17 = vector.broadcast %add3A_16 : vector<16384x1xf32> to vector<16384x64xf32>
    %div3A_18 = arith.divf %get3A_8, %div3A_17 : vector<16384x64xf32>
    %dot_general3A = arith.constant dense<0.000000e+00> : vector<32x16384xf32>
    %dot_general3A_19 = tpu.matmul %div3A_5, %div3A_18, %dot_general3A {dimension_numbers = #tpu.dot_dimension_numbers<[1], [1], [0], [0], [0, 0, 1, 0], [], []>, transpose_lhs_hint = false} : vector<32x64xf32>, vector<16384x64xf32>, vector<32x16384xf32> -> vector<32x16384xf32>
    %iota3A = tpu.iota {dimensions = array<i32: 1>} : vector<1x16384xi32>
    %mul3A_20 = arith.constant 16384 : i32
    %mul3A_21 = arith.muli %arg0, %mul3A_20 : i32
    %sub3A = arith.constant 1000000 : i32
    %sub3A_22 = arith.subi %sub3A, %mul3A_21 : i32
    %lt3A = vector.broadcast %sub3A_22 : i32 to vector<1x16384xi32>
    %lt3A_23 = arith.cmpi slt, %iota3A, %lt3A : vector<1x16384xi32>
    %jit3A = arith.constant 0xFF800000 : f32
    %broadcast_in_dim3A_24 = vector.shape_cast %lt3A_23 : vector<1x16384xi1> to vector<1x16384xi1>
    %broadcast_in_dim3A_25 = vector.broadcast %broadcast_in_dim3A_24 : vector<1x16384xi1> to vector<32x16384xi1>
    %broadcast_in_dim3A_26 = vector.broadcast %jit3A : f32 to vector<32x16384xf32>
    %select_n3A = arith.select %broadcast_in_dim3A_25, %dot_general3A_19, %broadcast_in_dim3A_26 : vector<32x16384xi1>, vector<32x16384xf32>
    %reshape3A = vector.shape_cast %select_n3A : vector<32x16384xf32> to vector<32x128x128xf32>
    %reduce_max3A = arith.constant dense<0xFF800000> : vector<32x128xf32>
    %reduce_max3A_27 = vector.multi_reduction <maximumf>, %reshape3A, %reduce_max3A [2] : vector<32x128x128xf32> to vector<32x128xf32>
    %swap3A = arith.constant 0 : index
    %swap3A_28 = arith.constant 0 : index
    %swap3A_29 = vector.load %arg3[%swap3A, %swap3A_28] : memref<32x128xf32, #tpu.memory_space<vmem>>, vector<32x128xf32>
    tpu.vector_store %arg3[%swap3A, %swap3A_28], %reduce_max3A_27 {strides = array<i32>} : memref<32x128xf32, #tpu.memory_space<vmem>>, vector<32x128xf32>,
    return
  }
  func.func @transform_0(%arg0: i32) -> (i32, i32) {
    %c0_i32 = arith.constant 0 : i32
    %c0_i32_0 = arith.constant 0 : i32
    %c0_i32_1 = arith.constant 0 : i32
    return %c0_i32, %c0_i32_0 : i32, i32
  }
  func.func @transform_1(%arg0: i32) -> (i32, i32) {
    %c0_i32 = arith.constant 0 : i32
    %c0_i32_0 = arith.constant 0 : i32
    return %arg0, %c0_i32 : i32, i32
  }
  func.func @transform_2(%arg0: i32) -> (i32, i32) {
    %c0_i32 = arith.constant 0 : i32
    %c0_i32_0 = arith.constant 0 : i32
    return %c0_i32, %arg0 : i32, i32
  }
}

module attributes {stable_mosaic.version = 14 : i64} {
  func.func @_rescore_body(%arg0: i32, %arg1: memref<32x8xi32, #tpu.memory_space<smem>>, %arg2: memref<32x64xf32, #tpu.memory_space<vmem>>, %arg3: memref<128x64xf32, #tpu.memory_space<vmem>>, %arg4: memref<128x64xf32, #tpu.memory_space<vmem>>, %arg5: memref<128x64xf32, #tpu.memory_space<vmem>>, %arg6: memref<128x64xf32, #tpu.memory_space<vmem>>, %arg7: memref<128x64xf32, #tpu.memory_space<vmem>>, %arg8: memref<128x64xf32, #tpu.memory_space<vmem>>, %arg9: memref<128x64xf32, #tpu.memory_space<vmem>>, %arg10: memref<128x64xf32, #tpu.memory_space<vmem>>, %arg11: memref<1x1x8xi32, #tpu.memory_space<vmem>>) attributes {dimension_semantics = [#tpu.dimension_semantics<arbitrary>], iteration_bounds = array<i64: 32>, scalar_prefetch = 1 : i64, scratch_operands = 0 : i64, tpu.core_type = #tpu.core_type<tc>, window_params = [{pipeline_mode = #tpu.pipeline_mode<synchronous>, transform_indices = @transform_0, window_bounds = array<i64: 32, 64>}, {transform_indices = @transform_1, window_bounds = array<i64: 128, 64>}, {transform_indices = @transform_2, window_bounds = array<i64: 128, 64>}, {transform_indices = @transform_3, window_bounds = array<i64: 128, 64>}, {transform_indices = @transform_4, window_bounds = array<i64: 128, 64>}, {transform_indices = @transform_5, window_bounds = array<i64: 128, 64>}, {transform_indices = @transform_6, window_bounds = array<i64: 128, 64>}, {transform_indices = @transform_7, window_bounds = array<i64: 128, 64>}, {transform_indices = @transform_8, window_bounds = array<i64: 128, 64>}, {transform_indices = @transform_9, window_bounds = array<i64: 1, 1, 8>}]} {
    %get3A = arith.index_cast %arg0 : i32 to index
    %get3A_0 = arith.constant 0 : index
    %get3A_1 = vector.load %arg2[%get3A, %get3A_0] : memref<32x64xf32, #tpu.memory_space<vmem>>, vector<1x64xf32>
    %mul3A = arith.mulf %get3A_1, %get3A_1 : vector<1x64xf32>
    %reduce_sum3A = arith.constant dense<0.000000e+00> : vector<1xf32>
    %reduce_sum3A_2 = vector.multi_reduction <add>, %mul3A, %reduce_sum3A [1] : vector<1x64xf32> to vector<1xf32>
    %broadcast_in_dim3A = vector.shape_cast %reduce_sum3A_2 : vector<1xf32> to vector<1x1xf32>
    %sqrt3A = math.sqrt %broadcast_in_dim3A : vector<1x1xf32>
    %add3A = arith.constant 9.99999997E-7 : f32
    %add3A_3 = vector.broadcast %add3A : f32 to vector<1x1xf32>
    %add3A_4 = arith.addf %sqrt3A, %add3A_3 : vector<1x1xf32>
    %div3A = vector.broadcast %add3A_4 : vector<1x1xf32> to vector<1x64xf32>
    %div3A_5 = arith.divf %get3A_1, %div3A : vector<1x64xf32>
    %iota3A = tpu.iota {dimensions = array<i32: 1>} : vector<1x128xi32>
    %get3A_6 = arith.constant 0 : index
    %get3A_7 = arith.constant 0 : index
    %get3A_8 = vector.load %arg3[%get3A_6, %get3A_7] : memref<128x64xf32, #tpu.memory_space<vmem>>, vector<128x64xf32>
    %mul3A_9 = arith.mulf %get3A_8, %get3A_8 : vector<128x64xf32>
    %reduce_sum3A_10 = arith.constant dense<0.000000e+00> : vector<128xf32>
    %reduce_sum3A_11 = vector.multi_reduction <add>, %mul3A_9, %reduce_sum3A_10 [1] : vector<128x64xf32> to vector<128xf32>
    %broadcast_in_dim3A_12 = vector.shape_cast %reduce_sum3A_11 : vector<128xf32> to vector<128x1xf32>
    %sqrt3A_13 = math.sqrt %broadcast_in_dim3A_12 : vector<128x1xf32>
    %add3A_14 = arith.constant 9.99999997E-7 : f32
    %add3A_15 = vector.broadcast %add3A_14 : f32 to vector<128x1xf32>
    %add3A_16 = arith.addf %sqrt3A_13, %add3A_15 : vector<128x1xf32>
    %div3A_17 = vector.broadcast %add3A_16 : vector<128x1xf32> to vector<128x64xf32>
    %div3A_18 = arith.divf %get3A_8, %div3A_17 : vector<128x64xf32>
    %dot_general3A = arith.constant dense<0.000000e+00> : vector<1x128xf32>
    %dot_general3A_19 = tpu.matmul %div3A_5, %div3A_18, %dot_general3A {dimension_numbers = #tpu.dot_dimension_numbers<[1], [1], [0], [0], [0, 0, 1, 0], [], []>, transpose_lhs_hint = false} : vector<1x64xf32>, vector<128x64xf32>, vector<1x128xf32> -> vector<1x128xf32>
    %get3A_20 = arith.index_cast %arg0 : i32 to index
    %get3A_21 = arith.constant 0 : index
    %get3A_22 = memref.load %arg1[%get3A_20, %get3A_21] : memref<32x8xi32, #tpu.memory_space<smem>>
    %mul3A_23 = arith.constant 128 : i32
    %mul3A_24 = arith.muli %get3A_22, %mul3A_23 : i32
    %add3A_25 = vector.broadcast %mul3A_24 : i32 to vector<1x128xi32>
    %add3A_26 = arith.addi %add3A_25, %iota3A : vector<1x128xi32>
    %lt3A = arith.constant 1000000 : i32
    %lt3A_27 = vector.broadcast %lt3A : i32 to vector<1x128xi32>
    %lt3A_28 = arith.cmpi slt, %add3A_26, %lt3A_27 : vector<1x128xi32>
    %jit3A = arith.constant 0xFF800000 : f32
    %broadcast_in_dim3A_29 = vector.broadcast %jit3A : f32 to vector<1x128xf32>
    %select_n3A = arith.select %lt3A_28, %dot_general3A_19, %broadcast_in_dim3A_29 : vector<1x128xi1>, vector<1x128xf32>
    %get3A_30 = arith.constant 0 : index
    %get3A_31 = arith.constant 0 : index
    %get3A_32 = vector.load %arg4[%get3A_30, %get3A_31] : memref<128x64xf32, #tpu.memory_space<vmem>>, vector<128x64xf32>
    %mul3A_33 = arith.mulf %get3A_32, %get3A_32 : vector<128x64xf32>
    %reduce_sum3A_34 = arith.constant dense<0.000000e+00> : vector<128xf32>
    %reduce_sum3A_35 = vector.multi_reduction <add>, %mul3A_33, %reduce_sum3A_34 [1] : vector<128x64xf32> to vector<128xf32>
    %broadcast_in_dim3A_36 = vector.shape_cast %reduce_sum3A_35 : vector<128xf32> to vector<128x1xf32>
    %sqrt3A_37 = math.sqrt %broadcast_in_dim3A_36 : vector<128x1xf32>
    %add3A_38 = arith.constant 9.99999997E-7 : f32
    %add3A_39 = vector.broadcast %add3A_38 : f32 to vector<128x1xf32>
    %add3A_40 = arith.addf %sqrt3A_37, %add3A_39 : vector<128x1xf32>
    %div3A_41 = vector.broadcast %add3A_40 : vector<128x1xf32> to vector<128x64xf32>
    %div3A_42 = arith.divf %get3A_32, %div3A_41 : vector<128x64xf32>
    %dot_general3A_43 = arith.constant dense<0.000000e+00> : vector<1x128xf32>
    %dot_general3A_44 = tpu.matmul %div3A_5, %div3A_42, %dot_general3A_43 {dimension_numbers = #tpu.dot_dimension_numbers<[1], [1], [0], [0], [0, 0, 1, 0], [], []>, transpose_lhs_hint = false} : vector<1x64xf32>, vector<128x64xf32>, vector<1x128xf32> -> vector<1x128xf32>
    %get3A_45 = arith.index_cast %arg0 : i32 to index
    %get3A_46 = arith.constant 1 : index
    %get3A_47 = memref.load %arg1[%get3A_45, %get3A_46] : memref<32x8xi32, #tpu.memory_space<smem>>
    %mul3A_48 = arith.constant 128 : i32
    %mul3A_49 = arith.muli %get3A_47, %mul3A_48 : i32
    %add3A_50 = vector.broadcast %mul3A_49 : i32 to vector<1x128xi32>
    %add3A_51 = arith.addi %add3A_50, %iota3A : vector<1x128xi32>
    %lt3A_52 = arith.constant 1000000 : i32
    %lt3A_53 = vector.broadcast %lt3A_52 : i32 to vector<1x128xi32>
    %lt3A_54 = arith.cmpi slt, %add3A_51, %lt3A_53 : vector<1x128xi32>
    %jit3A_55 = arith.constant 0xFF800000 : f32
    %broadcast_in_dim3A_56 = vector.broadcast %jit3A_55 : f32 to vector<1x128xf32>
    %select_n3A_57 = arith.select %lt3A_54, %dot_general3A_44, %broadcast_in_dim3A_56 : vector<1x128xi1>, vector<1x128xf32>
    %get3A_58 = arith.constant 0 : index
    %get3A_59 = arith.constant 0 : index
    %get3A_60 = vector.load %arg5[%get3A_58, %get3A_59] : memref<128x64xf32, #tpu.memory_space<vmem>>, vector<128x64xf32>
    %mul3A_61 = arith.mulf %get3A_60, %get3A_60 : vector<128x64xf32>
    %reduce_sum3A_62 = arith.constant dense<0.000000e+00> : vector<128xf32>
    %reduce_sum3A_63 = vector.multi_reduction <add>, %mul3A_61, %reduce_sum3A_62 [1] : vector<128x64xf32> to vector<128xf32>
    %broadcast_in_dim3A_64 = vector.shape_cast %reduce_sum3A_63 : vector<128xf32> to vector<128x1xf32>
    %sqrt3A_65 = math.sqrt %broadcast_in_dim3A_64 : vector<128x1xf32>
    %add3A_66 = arith.constant 9.99999997E-7 : f32
    %add3A_67 = vector.broadcast %add3A_66 : f32 to vector<128x1xf32>
    %add3A_68 = arith.addf %sqrt3A_65, %add3A_67 : vector<128x1xf32>
    %div3A_69 = vector.broadcast %add3A_68 : vector<128x1xf32> to vector<128x64xf32>
    %div3A_70 = arith.divf %get3A_60, %div3A_69 : vector<128x64xf32>
    %dot_general3A_71 = arith.constant dense<0.000000e+00> : vector<1x128xf32>
    %dot_general3A_72 = tpu.matmul %div3A_5, %div3A_70, %dot_general3A_71 {dimension_numbers = #tpu.dot_dimension_numbers<[1], [1], [0], [0], [0, 0, 1, 0], [], []>, transpose_lhs_hint = false} : vector<1x64xf32>, vector<128x64xf32>, vector<1x128xf32> -> vector<1x128xf32>
    %get3A_73 = arith.index_cast %arg0 : i32 to index
    %get3A_74 = arith.constant 2 : index
    %get3A_75 = memref.load %arg1[%get3A_73, %get3A_74] : memref<32x8xi32, #tpu.memory_space<smem>>
    %mul3A_76 = arith.constant 128 : i32
    %mul3A_77 = arith.muli %get3A_75, %mul3A_76 : i32
    %add3A_78 = vector.broadcast %mul3A_77 : i32 to vector<1x128xi32>
    %add3A_79 = arith.addi %add3A_78, %iota3A : vector<1x128xi32>
    %lt3A_80 = arith.constant 1000000 : i32
    %lt3A_81 = vector.broadcast %lt3A_80 : i32 to vector<1x128xi32>
    %lt3A_82 = arith.cmpi slt, %add3A_79, %lt3A_81 : vector<1x128xi32>
    %jit3A_83 = arith.constant 0xFF800000 : f32
    %broadcast_in_dim3A_84 = vector.broadcast %jit3A_83 : f32 to vector<1x128xf32>
    %select_n3A_85 = arith.select %lt3A_82, %dot_general3A_72, %broadcast_in_dim3A_84 : vector<1x128xi1>, vector<1x128xf32>
    %get3A_86 = arith.constant 0 : index
    %get3A_87 = arith.constant 0 : index
    %get3A_88 = vector.load %arg6[%get3A_86, %get3A_87] : memref<128x64xf32, #tpu.memory_space<vmem>>, vector<128x64xf32>
    %mul3A_89 = arith.mulf %get3A_88, %get3A_88 : vector<128x64xf32>
    %reduce_sum3A_90 = arith.constant dense<0.000000e+00> : vector<128xf32>
    %reduce_sum3A_91 = vector.multi_reduction <add>, %mul3A_89, %reduce_sum3A_90 [1] : vector<128x64xf32> to vector<128xf32>
    %broadcast_in_dim3A_92 = vector.shape_cast %reduce_sum3A_91 : vector<128xf32> to vector<128x1xf32>
    %sqrt3A_93 = math.sqrt %broadcast_in_dim3A_92 : vector<128x1xf32>
    %add3A_94 = arith.constant 9.99999997E-7 : f32
    %add3A_95 = vector.broadcast %add3A_94 : f32 to vector<128x1xf32>
    %add3A_96 = arith.addf %sqrt3A_93, %add3A_95 : vector<128x1xf32>
    %div3A_97 = vector.broadcast %add3A_96 : vector<128x1xf32> to vector<128x64xf32>
    %div3A_98 = arith.divf %get3A_88, %div3A_97 : vector<128x64xf32>
    %dot_general3A_99 = arith.constant dense<0.000000e+00> : vector<1x128xf32>
    %dot_general3A_100 = tpu.matmul %div3A_5, %div3A_98, %dot_general3A_99 {dimension_numbers = #tpu.dot_dimension_numbers<[1], [1], [0], [0], [0, 0, 1, 0], [], []>, transpose_lhs_hint = false} : vector<1x64xf32>, vector<128x64xf32>, vector<1x128xf32> -> vector<1x128xf32>
    %get3A_101 = arith.index_cast %arg0 : i32 to index
    %get3A_102 = arith.constant 3 : index
    %get3A_103 = memref.load %arg1[%get3A_101, %get3A_102] : memref<32x8xi32, #tpu.memory_space<smem>>
    %mul3A_104 = arith.constant 128 : i32
    %mul3A_105 = arith.muli %get3A_103, %mul3A_104 : i32
    %add3A_106 = vector.broadcast %mul3A_105 : i32 to vector<1x128xi32>
    %add3A_107 = arith.addi %add3A_106, %iota3A : vector<1x128xi32>
    %lt3A_108 = arith.constant 1000000 : i32
    %lt3A_109 = vector.broadcast %lt3A_108 : i32 to vector<1x128xi32>
    %lt3A_110 = arith.cmpi slt, %add3A_107, %lt3A_109 : vector<1x128xi32>
    %jit3A_111 = arith.constant 0xFF800000 : f32
    %broadcast_in_dim3A_112 = vector.broadcast %jit3A_111 : f32 to vector<1x128xf32>
    %select_n3A_113 = arith.select %lt3A_110, %dot_general3A_100, %broadcast_in_dim3A_112 : vector<1x128xi1>, vector<1x128xf32>
    %get3A_114 = arith.constant 0 : index
    %get3A_115 = arith.constant 0 : index
    %get3A_116 = vector.load %arg7[%get3A_114, %get3A_115] : memref<128x64xf32, #tpu.memory_space<vmem>>, vector<128x64xf32>
    %mul3A_117 = arith.mulf %get3A_116, %get3A_116 : vector<128x64xf32>
    %reduce_sum3A_118 = arith.constant dense<0.000000e+00> : vector<128xf32>
    %reduce_sum3A_119 = vector.multi_reduction <add>, %mul3A_117, %reduce_sum3A_118 [1] : vector<128x64xf32> to vector<128xf32>
    %broadcast_in_dim3A_120 = vector.shape_cast %reduce_sum3A_119 : vector<128xf32> to vector<128x1xf32>
    %sqrt3A_121 = math.sqrt %broadcast_in_dim3A_120 : vector<128x1xf32>
    %add3A_122 = arith.constant 9.99999997E-7 : f32
    %add3A_123 = vector.broadcast %add3A_122 : f32 to vector<128x1xf32>
    %add3A_124 = arith.addf %sqrt3A_121, %add3A_123 : vector<128x1xf32>
    %div3A_125 = vector.broadcast %add3A_124 : vector<128x1xf32> to vector<128x64xf32>
    %div3A_126 = arith.divf %get3A_116, %div3A_125 : vector<128x64xf32>
    %dot_general3A_127 = arith.constant dense<0.000000e+00> : vector<1x128xf32>
    %dot_general3A_128 = tpu.matmul %div3A_5, %div3A_126, %dot_general3A_127 {dimension_numbers = #tpu.dot_dimension_numbers<[1], [1], [0], [0], [0, 0, 1, 0], [], []>, transpose_lhs_hint = false} : vector<1x64xf32>, vector<128x64xf32>, vector<1x128xf32> -> vector<1x128xf32>
    %get3A_129 = arith.index_cast %arg0 : i32 to index
    %get3A_130 = arith.constant 4 : index
    %get3A_131 = memref.load %arg1[%get3A_129, %get3A_130] : memref<32x8xi32, #tpu.memory_space<smem>>
    %mul3A_132 = arith.constant 128 : i32
    %mul3A_133 = arith.muli %get3A_131, %mul3A_132 : i32
    %add3A_134 = vector.broadcast %mul3A_133 : i32 to vector<1x128xi32>
    %add3A_135 = arith.addi %add3A_134, %iota3A : vector<1x128xi32>
    %lt3A_136 = arith.constant 1000000 : i32
    %lt3A_137 = vector.broadcast %lt3A_136 : i32 to vector<1x128xi32>
    %lt3A_138 = arith.cmpi slt, %add3A_135, %lt3A_137 : vector<1x128xi32>
    %jit3A_139 = arith.constant 0xFF800000 : f32
    %broadcast_in_dim3A_140 = vector.broadcast %jit3A_139 : f32 to vector<1x128xf32>
    %select_n3A_141 = arith.select %lt3A_138, %dot_general3A_128, %broadcast_in_dim3A_140 : vector<1x128xi1>, vector<1x128xf32>
    %get3A_142 = arith.constant 0 : index
    %get3A_143 = arith.constant 0 : index
    %get3A_144 = vector.load %arg8[%get3A_142, %get3A_143] : memref<128x64xf32, #tpu.memory_space<vmem>>, vector<128x64xf32>
    %mul3A_145 = arith.mulf %get3A_144, %get3A_144 : vector<128x64xf32>
    %reduce_sum3A_146 = arith.constant dense<0.000000e+00> : vector<128xf32>
    %reduce_sum3A_147 = vector.multi_reduction <add>, %mul3A_145, %reduce_sum3A_146 [1] : vector<128x64xf32> to vector<128xf32>
    %broadcast_in_dim3A_148 = vector.shape_cast %reduce_sum3A_147 : vector<128xf32> to vector<128x1xf32>
    %sqrt3A_149 = math.sqrt %broadcast_in_dim3A_148 : vector<128x1xf32>
    %add3A_150 = arith.constant 9.99999997E-7 : f32
    %add3A_151 = vector.broadcast %add3A_150 : f32 to vector<128x1xf32>
    %add3A_152 = arith.addf %sqrt3A_149, %add3A_151 : vector<128x1xf32>
    %div3A_153 = vector.broadcast %add3A_152 : vector<128x1xf32> to vector<128x64xf32>
    %div3A_154 = arith.divf %get3A_144, %div3A_153 : vector<128x64xf32>
    %dot_general3A_155 = arith.constant dense<0.000000e+00> : vector<1x128xf32>
    %dot_general3A_156 = tpu.matmul %div3A_5, %div3A_154, %dot_general3A_155 {dimension_numbers = #tpu.dot_dimension_numbers<[1], [1], [0], [0], [0, 0, 1, 0], [], []>, transpose_lhs_hint = false} : vector<1x64xf32>, vector<128x64xf32>, vector<1x128xf32> -> vector<1x128xf32>
    %get3A_157 = arith.index_cast %arg0 : i32 to index
    %get3A_158 = arith.constant 5 : index
    %get3A_159 = memref.load %arg1[%get3A_157, %get3A_158] : memref<32x8xi32, #tpu.memory_space<smem>>
    %mul3A_160 = arith.constant 128 : i32
    %mul3A_161 = arith.muli %get3A_159, %mul3A_160 : i32
    %add3A_162 = vector.broadcast %mul3A_161 : i32 to vector<1x128xi32>
    %add3A_163 = arith.addi %add3A_162, %iota3A : vector<1x128xi32>
    %lt3A_164 = arith.constant 1000000 : i32
    %lt3A_165 = vector.broadcast %lt3A_164 : i32 to vector<1x128xi32>
    %lt3A_166 = arith.cmpi slt, %add3A_163, %lt3A_165 : vector<1x128xi32>
    %jit3A_167 = arith.constant 0xFF800000 : f32
    %broadcast_in_dim3A_168 = vector.broadcast %jit3A_167 : f32 to vector<1x128xf32>
    %select_n3A_169 = arith.select %lt3A_166, %dot_general3A_156, %broadcast_in_dim3A_168 : vector<1x128xi1>, vector<1x128xf32>
    %get3A_170 = arith.constant 0 : index
    %get3A_171 = arith.constant 0 : index
    %get3A_172 = vector.load %arg9[%get3A_170, %get3A_171] : memref<128x64xf32, #tpu.memory_space<vmem>>, vector<128x64xf32>
    %mul3A_173 = arith.mulf %get3A_172, %get3A_172 : vector<128x64xf32>
    %reduce_sum3A_174 = arith.constant dense<0.000000e+00> : vector<128xf32>
    %reduce_sum3A_175 = vector.multi_reduction <add>, %mul3A_173, %reduce_sum3A_174 [1] : vector<128x64xf32> to vector<128xf32>
    %broadcast_in_dim3A_176 = vector.shape_cast %reduce_sum3A_175 : vector<128xf32> to vector<128x1xf32>
    %sqrt3A_177 = math.sqrt %broadcast_in_dim3A_176 : vector<128x1xf32>
    %add3A_178 = arith.constant 9.99999997E-7 : f32
    %add3A_179 = vector.broadcast %add3A_178 : f32 to vector<128x1xf32>
    %add3A_180 = arith.addf %sqrt3A_177, %add3A_179 : vector<128x1xf32>
    %div3A_181 = vector.broadcast %add3A_180 : vector<128x1xf32> to vector<128x64xf32>
    %div3A_182 = arith.divf %get3A_172, %div3A_181 : vector<128x64xf32>
    %dot_general3A_183 = arith.constant dense<0.000000e+00> : vector<1x128xf32>
    %dot_general3A_184 = tpu.matmul %div3A_5, %div3A_182, %dot_general3A_183 {dimension_numbers = #tpu.dot_dimension_numbers<[1], [1], [0], [0], [0, 0, 1, 0], [], []>, transpose_lhs_hint = false} : vector<1x64xf32>, vector<128x64xf32>, vector<1x128xf32> -> vector<1x128xf32>
    %get3A_185 = arith.index_cast %arg0 : i32 to index
    %get3A_186 = arith.constant 6 : index
    %get3A_187 = memref.load %arg1[%get3A_185, %get3A_186] : memref<32x8xi32, #tpu.memory_space<smem>>
    %mul3A_188 = arith.constant 128 : i32
    %mul3A_189 = arith.muli %get3A_187, %mul3A_188 : i32
    %add3A_190 = vector.broadcast %mul3A_189 : i32 to vector<1x128xi32>
    %add3A_191 = arith.addi %add3A_190, %iota3A : vector<1x128xi32>
    %lt3A_192 = arith.constant 1000000 : i32
    %lt3A_193 = vector.broadcast %lt3A_192 : i32 to vector<1x128xi32>
    %lt3A_194 = arith.cmpi slt, %add3A_191, %lt3A_193 : vector<1x128xi32>
    %jit3A_195 = arith.constant 0xFF800000 : f32
    %broadcast_in_dim3A_196 = vector.broadcast %jit3A_195 : f32 to vector<1x128xf32>
    %select_n3A_197 = arith.select %lt3A_194, %dot_general3A_184, %broadcast_in_dim3A_196 : vector<1x128xi1>, vector<1x128xf32>
    %get3A_198 = arith.constant 0 : index
    %get3A_199 = arith.constant 0 : index
    %get3A_200 = vector.load %arg10[%get3A_198, %get3A_199] : memref<128x64xf32, #tpu.memory_space<vmem>>, vector<128x64xf32>
    %mul3A_201 = arith.mulf %get3A_200, %get3A_200 : vector<128x64xf32>
    %reduce_sum3A_202 = arith.constant dense<0.000000e+00> : vector<128xf32>
    %reduce_sum3A_203 = vector.multi_reduction <add>, %mul3A_201, %reduce_sum3A_202 [1] : vector<128x64xf32> to vector<128xf32>
    %broadcast_in_dim3A_204 = vector.shape_cast %reduce_sum3A_203 : vector<128xf32> to vector<128x1xf32>
    %sqrt3A_205 = math.sqrt %broadcast_in_dim3A_204 : vector<128x1xf32>
    %add3A_206 = arith.constant 9.99999997E-7 : f32
    %add3A_207 = vector.broadcast %add3A_206 : f32 to vector<128x1xf32>
    %add3A_208 = arith.addf %sqrt3A_205, %add3A_207 : vector<128x1xf32>
    %div3A_209 = vector.broadcast %add3A_208 : vector<128x1xf32> to vector<128x64xf32>
    %div3A_210 = arith.divf %get3A_200, %div3A_209 : vector<128x64xf32>
    %dot_general3A_211 = arith.constant dense<0.000000e+00> : vector<1x128xf32>
    %dot_general3A_212 = tpu.matmul %div3A_5, %div3A_210, %dot_general3A_211 {dimension_numbers = #tpu.dot_dimension_numbers<[1], [1], [0], [0], [0, 0, 1, 0], [], []>, transpose_lhs_hint = false} : vector<1x64xf32>, vector<128x64xf32>, vector<1x128xf32> -> vector<1x128xf32>
    %get3A_213 = arith.index_cast %arg0 : i32 to index
    %get3A_214 = arith.constant 7 : index
    %get3A_215 = memref.load %arg1[%get3A_213, %get3A_214] : memref<32x8xi32, #tpu.memory_space<smem>>
    %mul3A_216 = arith.constant 128 : i32
    %mul3A_217 = arith.muli %get3A_215, %mul3A_216 : i32
    %add3A_218 = vector.broadcast %mul3A_217 : i32 to vector<1x128xi32>
    %add3A_219 = arith.addi %add3A_218, %iota3A : vector<1x128xi32>
    %lt3A_220 = arith.constant 1000000 : i32
    %lt3A_221 = vector.broadcast %lt3A_220 : i32 to vector<1x128xi32>
    %lt3A_222 = arith.cmpi slt, %add3A_219, %lt3A_221 : vector<1x128xi32>
    %jit3A_223 = arith.constant 0xFF800000 : f32
    %broadcast_in_dim3A_224 = vector.broadcast %jit3A_223 : f32 to vector<1x128xf32>
    %select_n3A_225 = arith.select %lt3A_222, %dot_general3A_212, %broadcast_in_dim3A_224 : vector<1x128xi1>, vector<1x128xf32>
    %concatenate3A = tpu.concatenate %select_n3A, %select_n3A_57, %select_n3A_85, %select_n3A_113, %select_n3A_141, %select_n3A_169, %select_n3A_197, %select_n3A_225 in 1 : vector<1x128xf32>, vector<1x128xf32>, vector<1x128xf32>, vector<1x128xf32>, vector<1x128xf32>, vector<1x128xf32>, vector<1x128xf32>, vector<1x128xf32> -> vector<1x1024xf32>
    %concatenate3A_226 = tpu.concatenate %add3A_26, %add3A_51, %add3A_79, %add3A_107, %add3A_135, %add3A_163, %add3A_191, %add3A_219 in 1 : vector<1x128xi32>, vector<1x128xi32>, vector<1x128xi32>, vector<1x128xi32>, vector<1x128xi32>, vector<1x128xi32>, vector<1x128xi32>, vector<1x128xi32> -> vector<1x1024xi32>
    %iota3A_227 = tpu.iota {dimensions = array<i32: 1>} : vector<1x1024xi32>
    %reduce_max3A = arith.constant dense<0xFF800000> : vector<1xf32>
    %reduce_max3A_228 = vector.multi_reduction <maximumf>, %concatenate3A, %reduce_max3A [1] : vector<1x1024xf32> to vector<1xf32>
    %broadcast_in_dim3A_229 = vector.shape_cast %reduce_max3A_228 : vector<1xf32> to vector<1x1xf32>
    %eq3A = vector.broadcast %broadcast_in_dim3A_229 : vector<1x1xf32> to vector<1x1024xf32>
    %eq3A_230 = arith.cmpf oeq, %concatenate3A, %eq3A : vector<1x1024xf32>
    %jit3A_231 = arith.constant 1024 : i32
    %broadcast_in_dim3A_232 = vector.broadcast %jit3A_231 : i32 to vector<1x1024xi32>
    %select_n3A_233 = arith.select %eq3A_230, %iota3A_227, %broadcast_in_dim3A_232 : vector<1x1024xi1>, vector<1x1024xi32>
    %reduce_min3A = arith.constant dense<2147483647> : vector<1xi32>
    %reduce_min3A_234 = vector.multi_reduction <minsi>, %select_n3A_233, %reduce_min3A [1] : vector<1x1024xi32> to vector<1xi32>
    %broadcast_in_dim3A_235 = vector.shape_cast %reduce_min3A_234 : vector<1xi32> to vector<1x1xi32>
    %eq3A_236 = vector.broadcast %broadcast_in_dim3A_235 : vector<1x1xi32> to vector<1x1024xi32>
    %eq3A_237 = arith.cmpi eq, %iota3A_227, %eq3A_236 : vector<1x1024xi32>
    %jit3A_238 = arith.constant 0 : i32
    %broadcast_in_dim3A_239 = vector.broadcast %jit3A_238 : i32 to vector<1x1024xi32>
    %select_n3A_240 = arith.select %eq3A_237, %concatenate3A_226, %broadcast_in_dim3A_239 : vector<1x1024xi1>, vector<1x1024xi32>
    %reduce_sum3A_241 = arith.constant dense<0> : vector<1xi32>
    %reduce_sum3A_242 = vector.multi_reduction <add>, %select_n3A_240, %reduce_sum3A_241 [1] : vector<1x1024xi32> to vector<1xi32>
    %broadcast_in_dim3A_243 = vector.shape_cast %reduce_sum3A_242 : vector<1xi32> to vector<1x1xi32>
    %jit3A_244 = arith.constant 0xFF800000 : f32
    %broadcast_in_dim3A_245 = vector.broadcast %jit3A_244 : f32 to vector<1x1024xf32>
    %select_n3A_246 = arith.select %eq3A_237, %broadcast_in_dim3A_245, %concatenate3A : vector<1x1024xi1>, vector<1x1024xf32>
    %reduce_max3A_247 = arith.constant dense<0xFF800000> : vector<1xf32>
    %reduce_max3A_248 = vector.multi_reduction <maximumf>, %select_n3A_246, %reduce_max3A_247 [1] : vector<1x1024xf32> to vector<1xf32>
    %broadcast_in_dim3A_249 = vector.shape_cast %reduce_max3A_248 : vector<1xf32> to vector<1x1xf32>
    %eq3A_250 = vector.broadcast %broadcast_in_dim3A_249 : vector<1x1xf32> to vector<1x1024xf32>
    %eq3A_251 = arith.cmpf oeq, %select_n3A_246, %eq3A_250 : vector<1x1024xf32>
    %jit3A_252 = arith.constant 1024 : i32
    %broadcast_in_dim3A_253 = vector.broadcast %jit3A_252 : i32 to vector<1x1024xi32>
    %select_n3A_254 = arith.select %eq3A_251, %iota3A_227, %broadcast_in_dim3A_253 : vector<1x1024xi1>, vector<1x1024xi32>
    %reduce_min3A_255 = arith.constant dense<2147483647> : vector<1xi32>
    %reduce_min3A_256 = vector.multi_reduction <minsi>, %select_n3A_254, %reduce_min3A_255 [1] : vector<1x1024xi32> to vector<1xi32>
    %broadcast_in_dim3A_257 = vector.shape_cast %reduce_min3A_256 : vector<1xi32> to vector<1x1xi32>
    %eq3A_258 = vector.broadcast %broadcast_in_dim3A_257 : vector<1x1xi32> to vector<1x1024xi32>
    %eq3A_259 = arith.cmpi eq, %iota3A_227, %eq3A_258 : vector<1x1024xi32>
    %jit3A_260 = arith.constant 0 : i32
    %broadcast_in_dim3A_261 = vector.broadcast %jit3A_260 : i32 to vector<1x1024xi32>
    %select_n3A_262 = arith.select %eq3A_259, %concatenate3A_226, %broadcast_in_dim3A_261 : vector<1x1024xi1>, vector<1x1024xi32>
    %reduce_sum3A_263 = arith.constant dense<0> : vector<1xi32>
    %reduce_sum3A_264 = vector.multi_reduction <add>, %select_n3A_262, %reduce_sum3A_263 [1] : vector<1x1024xi32> to vector<1xi32>
    %broadcast_in_dim3A_265 = vector.shape_cast %reduce_sum3A_264 : vector<1xi32> to vector<1x1xi32>
    %jit3A_266 = arith.constant 0xFF800000 : f32
    %broadcast_in_dim3A_267 = vector.broadcast %jit3A_266 : f32 to vector<1x1024xf32>
    %select_n3A_268 = arith.select %eq3A_259, %broadcast_in_dim3A_267, %select_n3A_246 : vector<1x1024xi1>, vector<1x1024xf32>
    %reduce_max3A_269 = arith.constant dense<0xFF800000> : vector<1xf32>
    %reduce_max3A_270 = vector.multi_reduction <maximumf>, %select_n3A_268, %reduce_max3A_269 [1] : vector<1x1024xf32> to vector<1xf32>
    %broadcast_in_dim3A_271 = vector.shape_cast %reduce_max3A_270 : vector<1xf32> to vector<1x1xf32>
    %eq3A_272 = vector.broadcast %broadcast_in_dim3A_271 : vector<1x1xf32> to vector<1x1024xf32>
    %eq3A_273 = arith.cmpf oeq, %select_n3A_268, %eq3A_272 : vector<1x1024xf32>
    %jit3A_274 = arith.constant 1024 : i32
    %broadcast_in_dim3A_275 = vector.broadcast %jit3A_274 : i32 to vector<1x1024xi32>
    %select_n3A_276 = arith.select %eq3A_273, %iota3A_227, %broadcast_in_dim3A_275 : vector<1x1024xi1>, vector<1x1024xi32>
    %reduce_min3A_277 = arith.constant dense<2147483647> : vector<1xi32>
    %reduce_min3A_278 = vector.multi_reduction <minsi>, %select_n3A_276, %reduce_min3A_277 [1] : vector<1x1024xi32> to vector<1xi32>
    %broadcast_in_dim3A_279 = vector.shape_cast %reduce_min3A_278 : vector<1xi32> to vector<1x1xi32>
    %eq3A_280 = vector.broadcast %broadcast_in_dim3A_279 : vector<1x1xi32> to vector<1x1024xi32>
    %eq3A_281 = arith.cmpi eq, %iota3A_227, %eq3A_280 : vector<1x1024xi32>
    %jit3A_282 = arith.constant 0 : i32
    %broadcast_in_dim3A_283 = vector.broadcast %jit3A_282 : i32 to vector<1x1024xi32>
    %select_n3A_284 = arith.select %eq3A_281, %concatenate3A_226, %broadcast_in_dim3A_283 : vector<1x1024xi1>, vector<1x1024xi32>
    %reduce_sum3A_285 = arith.constant dense<0> : vector<1xi32>
    %reduce_sum3A_286 = vector.multi_reduction <add>, %select_n3A_284, %reduce_sum3A_285 [1] : vector<1x1024xi32> to vector<1xi32>
    %broadcast_in_dim3A_287 = vector.shape_cast %reduce_sum3A_286 : vector<1xi32> to vector<1x1xi32>
    %jit3A_288 = arith.constant 0xFF800000 : f32
    %broadcast_in_dim3A_289 = vector.broadcast %jit3A_288 : f32 to vector<1x1024xf32>
    %select_n3A_290 = arith.select %eq3A_281, %broadcast_in_dim3A_289, %select_n3A_268 : vector<1x1024xi1>, vector<1x1024xf32>
    %reduce_max3A_291 = arith.constant dense<0xFF800000> : vector<1xf32>
    %reduce_max3A_292 = vector.multi_reduction <maximumf>, %select_n3A_290, %reduce_max3A_291 [1] : vector<1x1024xf32> to vector<1xf32>
    %broadcast_in_dim3A_293 = vector.shape_cast %reduce_max3A_292 : vector<1xf32> to vector<1x1xf32>
    %eq3A_294 = vector.broadcast %broadcast_in_dim3A_293 : vector<1x1xf32> to vector<1x1024xf32>
    %eq3A_295 = arith.cmpf oeq, %select_n3A_290, %eq3A_294 : vector<1x1024xf32>
    %jit3A_296 = arith.constant 1024 : i32
    %broadcast_in_dim3A_297 = vector.broadcast %jit3A_296 : i32 to vector<1x1024xi32>
    %select_n3A_298 = arith.select %eq3A_295, %iota3A_227, %broadcast_in_dim3A_297 : vector<1x1024xi1>, vector<1x1024xi32>
    %reduce_min3A_299 = arith.constant dense<2147483647> : vector<1xi32>
    %reduce_min3A_300 = vector.multi_reduction <minsi>, %select_n3A_298, %reduce_min3A_299 [1] : vector<1x1024xi32> to vector<1xi32>
    %broadcast_in_dim3A_301 = vector.shape_cast %reduce_min3A_300 : vector<1xi32> to vector<1x1xi32>
    %eq3A_302 = vector.broadcast %broadcast_in_dim3A_301 : vector<1x1xi32> to vector<1x1024xi32>
    %eq3A_303 = arith.cmpi eq, %iota3A_227, %eq3A_302 : vector<1x1024xi32>
    %jit3A_304 = arith.constant 0 : i32
    %broadcast_in_dim3A_305 = vector.broadcast %jit3A_304 : i32 to vector<1x1024xi32>
    %select_n3A_306 = arith.select %eq3A_303, %concatenate3A_226, %broadcast_in_dim3A_305 : vector<1x1024xi1>, vector<1x1024xi32>
    %reduce_sum3A_307 = arith.constant dense<0> : vector<1xi32>
    %reduce_sum3A_308 = vector.multi_reduction <add>, %select_n3A_306, %reduce_sum3A_307 [1] : vector<1x1024xi32> to vector<1xi32>
    %broadcast_in_dim3A_309 = vector.shape_cast %reduce_sum3A_308 : vector<1xi32> to vector<1x1xi32>
    %jit3A_310 = arith.constant 0xFF800000 : f32
    %broadcast_in_dim3A_311 = vector.broadcast %jit3A_310 : f32 to vector<1x1024xf32>
    %select_n3A_312 = arith.select %eq3A_303, %broadcast_in_dim3A_311, %select_n3A_290 : vector<1x1024xi1>, vector<1x1024xf32>
    %reduce_max3A_313 = arith.constant dense<0xFF800000> : vector<1xf32>
    %reduce_max3A_314 = vector.multi_reduction <maximumf>, %select_n3A_312, %reduce_max3A_313 [1] : vector<1x1024xf32> to vector<1xf32>
    %broadcast_in_dim3A_315 = vector.shape_cast %reduce_max3A_314 : vector<1xf32> to vector<1x1xf32>
    %eq3A_316 = vector.broadcast %broadcast_in_dim3A_315 : vector<1x1xf32> to vector<1x1024xf32>
    %eq3A_317 = arith.cmpf oeq, %select_n3A_312, %eq3A_316 : vector<1x1024xf32>
    %jit3A_318 = arith.constant 1024 : i32
    %broadcast_in_dim3A_319 = vector.broadcast %jit3A_318 : i32 to vector<1x1024xi32>
    %select_n3A_320 = arith.select %eq3A_317, %iota3A_227, %broadcast_in_dim3A_319 : vector<1x1024xi1>, vector<1x1024xi32>
    %reduce_min3A_321 = arith.constant dense<2147483647> : vector<1xi32>
    %reduce_min3A_322 = vector.multi_reduction <minsi>, %select_n3A_320, %reduce_min3A_321 [1] : vector<1x1024xi32> to vector<1xi32>
    %broadcast_in_dim3A_323 = vector.shape_cast %reduce_min3A_322 : vector<1xi32> to vector<1x1xi32>
    %eq3A_324 = vector.broadcast %broadcast_in_dim3A_323 : vector<1x1xi32> to vector<1x1024xi32>
    %eq3A_325 = arith.cmpi eq, %iota3A_227, %eq3A_324 : vector<1x1024xi32>
    %jit3A_326 = arith.constant 0 : i32
    %broadcast_in_dim3A_327 = vector.broadcast %jit3A_326 : i32 to vector<1x1024xi32>
    %select_n3A_328 = arith.select %eq3A_325, %concatenate3A_226, %broadcast_in_dim3A_327 : vector<1x1024xi1>, vector<1x1024xi32>
    %reduce_sum3A_329 = arith.constant dense<0> : vector<1xi32>
    %reduce_sum3A_330 = vector.multi_reduction <add>, %select_n3A_328, %reduce_sum3A_329 [1] : vector<1x1024xi32> to vector<1xi32>
    %broadcast_in_dim3A_331 = vector.shape_cast %reduce_sum3A_330 : vector<1xi32> to vector<1x1xi32>
    %jit3A_332 = arith.constant 0xFF800000 : f32
    %broadcast_in_dim3A_333 = vector.broadcast %jit3A_332 : f32 to vector<1x1024xf32>
    %select_n3A_334 = arith.select %eq3A_325, %broadcast_in_dim3A_333, %select_n3A_312 : vector<1x1024xi1>, vector<1x1024xf32>
    %reduce_max3A_335 = arith.constant dense<0xFF800000> : vector<1xf32>
    %reduce_max3A_336 = vector.multi_reduction <maximumf>, %select_n3A_334, %reduce_max3A_335 [1] : vector<1x1024xf32> to vector<1xf32>
    %broadcast_in_dim3A_337 = vector.shape_cast %reduce_max3A_336 : vector<1xf32> to vector<1x1xf32>
    %eq3A_338 = vector.broadcast %broadcast_in_dim3A_337 : vector<1x1xf32> to vector<1x1024xf32>
    %eq3A_339 = arith.cmpf oeq, %select_n3A_334, %eq3A_338 : vector<1x1024xf32>
    %jit3A_340 = arith.constant 1024 : i32
    %broadcast_in_dim3A_341 = vector.broadcast %jit3A_340 : i32 to vector<1x1024xi32>
    %select_n3A_342 = arith.select %eq3A_339, %iota3A_227, %broadcast_in_dim3A_341 : vector<1x1024xi1>, vector<1x1024xi32>
    %reduce_min3A_343 = arith.constant dense<2147483647> : vector<1xi32>
    %reduce_min3A_344 = vector.multi_reduction <minsi>, %select_n3A_342, %reduce_min3A_343 [1] : vector<1x1024xi32> to vector<1xi32>
    %broadcast_in_dim3A_345 = vector.shape_cast %reduce_min3A_344 : vector<1xi32> to vector<1x1xi32>
    %eq3A_346 = vector.broadcast %broadcast_in_dim3A_345 : vector<1x1xi32> to vector<1x1024xi32>
    %eq3A_347 = arith.cmpi eq, %iota3A_227, %eq3A_346 : vector<1x1024xi32>
    %jit3A_348 = arith.constant 0 : i32
    %broadcast_in_dim3A_349 = vector.broadcast %jit3A_348 : i32 to vector<1x1024xi32>
    %select_n3A_350 = arith.select %eq3A_347, %concatenate3A_226, %broadcast_in_dim3A_349 : vector<1x1024xi1>, vector<1x1024xi32>
    %reduce_sum3A_351 = arith.constant dense<0> : vector<1xi32>
    %reduce_sum3A_352 = vector.multi_reduction <add>, %select_n3A_350, %reduce_sum3A_351 [1] : vector<1x1024xi32> to vector<1xi32>
    %broadcast_in_dim3A_353 = vector.shape_cast %reduce_sum3A_352 : vector<1xi32> to vector<1x1xi32>
    %jit3A_354 = arith.constant 0xFF800000 : f32
    %broadcast_in_dim3A_355 = vector.broadcast %jit3A_354 : f32 to vector<1x1024xf32>
    %select_n3A_356 = arith.select %eq3A_347, %broadcast_in_dim3A_355, %select_n3A_334 : vector<1x1024xi1>, vector<1x1024xf32>
    %reduce_max3A_357 = arith.constant dense<0xFF800000> : vector<1xf32>
    %reduce_max3A_358 = vector.multi_reduction <maximumf>, %select_n3A_356, %reduce_max3A_357 [1] : vector<1x1024xf32> to vector<1xf32>
    %broadcast_in_dim3A_359 = vector.shape_cast %reduce_max3A_358 : vector<1xf32> to vector<1x1xf32>
    %eq3A_360 = vector.broadcast %broadcast_in_dim3A_359 : vector<1x1xf32> to vector<1x1024xf32>
    %eq3A_361 = arith.cmpf oeq, %select_n3A_356, %eq3A_360 : vector<1x1024xf32>
    %jit3A_362 = arith.constant 1024 : i32
    %broadcast_in_dim3A_363 = vector.broadcast %jit3A_362 : i32 to vector<1x1024xi32>
    %select_n3A_364 = arith.select %eq3A_361, %iota3A_227, %broadcast_in_dim3A_363 : vector<1x1024xi1>, vector<1x1024xi32>
    %reduce_min3A_365 = arith.constant dense<2147483647> : vector<1xi32>
    %reduce_min3A_366 = vector.multi_reduction <minsi>, %select_n3A_364, %reduce_min3A_365 [1] : vector<1x1024xi32> to vector<1xi32>
    %broadcast_in_dim3A_367 = vector.shape_cast %reduce_min3A_366 : vector<1xi32> to vector<1x1xi32>
    %eq3A_368 = vector.broadcast %broadcast_in_dim3A_367 : vector<1x1xi32> to vector<1x1024xi32>
    %eq3A_369 = arith.cmpi eq, %iota3A_227, %eq3A_368 : vector<1x1024xi32>
    %jit3A_370 = arith.constant 0 : i32
    %broadcast_in_dim3A_371 = vector.broadcast %jit3A_370 : i32 to vector<1x1024xi32>
    %select_n3A_372 = arith.select %eq3A_369, %concatenate3A_226, %broadcast_in_dim3A_371 : vector<1x1024xi1>, vector<1x1024xi32>
    %reduce_sum3A_373 = arith.constant dense<0> : vector<1xi32>
    %reduce_sum3A_374 = vector.multi_reduction <add>, %select_n3A_372, %reduce_sum3A_373 [1] : vector<1x1024xi32> to vector<1xi32>
    %broadcast_in_dim3A_375 = vector.shape_cast %reduce_sum3A_374 : vector<1xi32> to vector<1x1xi32>
    %jit3A_376 = arith.constant 0xFF800000 : f32
    %broadcast_in_dim3A_377 = vector.broadcast %jit3A_376 : f32 to vector<1x1024xf32>
    %select_n3A_378 = arith.select %eq3A_369, %broadcast_in_dim3A_377, %select_n3A_356 : vector<1x1024xi1>, vector<1x1024xf32>
    %reduce_max3A_379 = arith.constant dense<0xFF800000> : vector<1xf32>
    %reduce_max3A_380 = vector.multi_reduction <maximumf>, %select_n3A_378, %reduce_max3A_379 [1] : vector<1x1024xf32> to vector<1xf32>
    %broadcast_in_dim3A_381 = vector.shape_cast %reduce_max3A_380 : vector<1xf32> to vector<1x1xf32>
    %eq3A_382 = vector.broadcast %broadcast_in_dim3A_381 : vector<1x1xf32> to vector<1x1024xf32>
    %eq3A_383 = arith.cmpf oeq, %select_n3A_378, %eq3A_382 : vector<1x1024xf32>
    %jit3A_384 = arith.constant 1024 : i32
    %broadcast_in_dim3A_385 = vector.broadcast %jit3A_384 : i32 to vector<1x1024xi32>
    %select_n3A_386 = arith.select %eq3A_383, %iota3A_227, %broadcast_in_dim3A_385 : vector<1x1024xi1>, vector<1x1024xi32>
    %reduce_min3A_387 = arith.constant dense<2147483647> : vector<1xi32>
    %reduce_min3A_388 = vector.multi_reduction <minsi>, %select_n3A_386, %reduce_min3A_387 [1] : vector<1x1024xi32> to vector<1xi32>
    %broadcast_in_dim3A_389 = vector.shape_cast %reduce_min3A_388 : vector<1xi32> to vector<1x1xi32>
    %eq3A_390 = vector.broadcast %broadcast_in_dim3A_389 : vector<1x1xi32> to vector<1x1024xi32>
    %eq3A_391 = arith.cmpi eq, %iota3A_227, %eq3A_390 : vector<1x1024xi32>
    %jit3A_392 = arith.constant 0 : i32
    %broadcast_in_dim3A_393 = vector.broadcast %jit3A_392 : i32 to vector<1x1024xi32>
    %select_n3A_394 = arith.select %eq3A_391, %concatenate3A_226, %broadcast_in_dim3A_393 : vector<1x1024xi1>, vector<1x1024xi32>
    %reduce_sum3A_395 = arith.constant dense<0> : vector<1xi32>
    %reduce_sum3A_396 = vector.multi_reduction <add>, %select_n3A_394, %reduce_sum3A_395 [1] : vector<1x1024xi32> to vector<1xi32>
    %broadcast_in_dim3A_397 = vector.shape_cast %reduce_sum3A_396 : vector<1xi32> to vector<1x1xi32>
    %concatenate3A_398 = tpu.concatenate %broadcast_in_dim3A_243, %broadcast_in_dim3A_265, %broadcast_in_dim3A_287, %broadcast_in_dim3A_309, %broadcast_in_dim3A_331, %broadcast_in_dim3A_353, %broadcast_in_dim3A_375, %broadcast_in_dim3A_397 in 1 : vector<1x1xi32>, vector<1x1xi32>, vector<1x1xi32>, vector<1x1xi32>, vector<1x1xi32>, vector<1x1xi32>, vector<1x1xi32>, vector<1x1xi32> -> vector<1x8xi32>
    %broadcast_in_dim3A_399 = vector.shape_cast %concatenate3A_398 : vector<1x8xi32> to vector<1x1x8xi32>
    %swap3A = arith.constant 0 : index
    %swap3A_400 = arith.constant 0 : index
    %swap3A_401 = arith.constant 0 : index
    %swap3A_402 = vector.load %arg11[%swap3A, %swap3A_400, %swap3A_401] : memref<1x1x8xi32, #tpu.memory_space<vmem>>, vector<1x1x8xi32>
    tpu.vector_store %arg11[%swap3A, %swap3A_400, %swap3A_401], %broadcast_in_dim3A_399 {strides = array<i32>} : memref<1x1x8xi32, #tpu.memory_space<vmem>>, vector<1x1x8xi32>,
    return
  }
  func.func @transform_0(%arg0: i32, %arg1: memref<32x8xi32, #tpu.memory_space<smem>>) -> (i32, i32) {
    %c0_i32 = arith.constant 0 : i32
    %c0_i32_0 = arith.constant 0 : i32
    %c0_i32_1 = arith.constant 0 : i32
    return %c0_i32, %c0_i32_0 : i32, i32
  }
  func.func @transform_1(%arg0: i32, %arg1: memref<32x8xi32, #tpu.memory_space<smem>>) -> (i32, i32) {
    %get3A = arith.index_cast %arg0 : i32 to index
    %get3A_0 = arith.constant 0 : index
    %get3A_1 = memref.load %arg1[%get3A, %get3A_0] : memref<32x8xi32, #tpu.memory_space<smem>>
    %c0_i32 = arith.constant 0 : i32
    %c0_i32_2 = arith.constant 0 : i32
    return %get3A_1, %c0_i32 : i32, i32
  }
  func.func @transform_2(%arg0: i32, %arg1: memref<32x8xi32, #tpu.memory_space<smem>>) -> (i32, i32) {
    %get3A = arith.index_cast %arg0 : i32 to index
    %get3A_0 = arith.constant 1 : index
    %get3A_1 = memref.load %arg1[%get3A, %get3A_0] : memref<32x8xi32, #tpu.memory_space<smem>>
    %c0_i32 = arith.constant 0 : i32
    %c0_i32_2 = arith.constant 0 : i32
    return %get3A_1, %c0_i32 : i32, i32
  }
  func.func @transform_3(%arg0: i32, %arg1: memref<32x8xi32, #tpu.memory_space<smem>>) -> (i32, i32) {
    %get3A = arith.index_cast %arg0 : i32 to index
    %get3A_0 = arith.constant 2 : index
    %get3A_1 = memref.load %arg1[%get3A, %get3A_0] : memref<32x8xi32, #tpu.memory_space<smem>>
    %c0_i32 = arith.constant 0 : i32
    %c0_i32_2 = arith.constant 0 : i32
    return %get3A_1, %c0_i32 : i32, i32
  }
  func.func @transform_4(%arg0: i32, %arg1: memref<32x8xi32, #tpu.memory_space<smem>>) -> (i32, i32) {
    %get3A = arith.index_cast %arg0 : i32 to index
    %get3A_0 = arith.constant 3 : index
    %get3A_1 = memref.load %arg1[%get3A, %get3A_0] : memref<32x8xi32, #tpu.memory_space<smem>>
    %c0_i32 = arith.constant 0 : i32
    %c0_i32_2 = arith.constant 0 : i32
    return %get3A_1, %c0_i32 : i32, i32
  }
  func.func @transform_5(%arg0: i32, %arg1: memref<32x8xi32, #tpu.memory_space<smem>>) -> (i32, i32) {
    %get3A = arith.index_cast %arg0 : i32 to index
    %get3A_0 = arith.constant 4 : index
    %get3A_1 = memref.load %arg1[%get3A, %get3A_0] : memref<32x8xi32, #tpu.memory_space<smem>>
    %c0_i32 = arith.constant 0 : i32
    %c0_i32_2 = arith.constant 0 : i32
    return %get3A_1, %c0_i32 : i32, i32
  }
  func.func @transform_6(%arg0: i32, %arg1: memref<32x8xi32, #tpu.memory_space<smem>>) -> (i32, i32) {
    %get3A = arith.index_cast %arg0 : i32 to index
    %get3A_0 = arith.constant 5 : index
    %get3A_1 = memref.load %arg1[%get3A, %get3A_0] : memref<32x8xi32, #tpu.memory_space<smem>>
    %c0_i32 = arith.constant 0 : i32
    %c0_i32_2 = arith.constant 0 : i32
    return %get3A_1, %c0_i32 : i32, i32
  }
  func.func @transform_7(%arg0: i32, %arg1: memref<32x8xi32, #tpu.memory_space<smem>>) -> (i32, i32) {
    %get3A = arith.index_cast %arg0 : i32 to index
    %get3A_0 = arith.constant 6 : index
    %get3A_1 = memref.load %arg1[%get3A, %get3A_0] : memref<32x8xi32, #tpu.memory_space<smem>>
    %c0_i32 = arith.constant 0 : i32
    %c0_i32_2 = arith.constant 0 : i32
    return %get3A_1, %c0_i32 : i32, i32
  }
  func.func @transform_8(%arg0: i32, %arg1: memref<32x8xi32, #tpu.memory_space<smem>>) -> (i32, i32) {
    %get3A = arith.index_cast %arg0 : i32 to index
    %get3A_0 = arith.constant 7 : index
    %get3A_1 = memref.load %arg1[%get3A, %get3A_0] : memref<32x8xi32, #tpu.memory_space<smem>>
    %c0_i32 = arith.constant 0 : i32
    %c0_i32_2 = arith.constant 0 : i32
    return %get3A_1, %c0_i32 : i32, i32
  }
  func.func @transform_9(%arg0: i32, %arg1: memref<32x8xi32, #tpu.memory_space<smem>>) -> (i32, i32, i32) {
    %c0_i32 = arith.constant 0 : i32
    %c0_i32_0 = arith.constant 0 : i32
    %c0_i32_1 = arith.constant 0 : i32
    return %arg0, %c0_i32, %c0_i32_0 : i32, i32, i32
  }
}

module attributes {stable_mosaic.version = 14 : i64} {
  func.func @_project_body(%arg0: memref<256x64xf32, #tpu.memory_space<vmem>>, %arg1: memref<1024x64xf32, #tpu.memory_space<vmem>>, %arg2: memref<256x1024xf32, #tpu.memory_space<vmem>>) attributes {dimension_semantics = [], scalar_prefetch = 0 : i64, scratch_operands = 0 : i64, tpu.core_type = #tpu.core_type<tc>} {
    %get3A = arith.constant 0 : index
    %get3A_0 = arith.constant 0 : index
    %get3A_1 = vector.load %arg0[%get3A, %get3A_0] : memref<256x64xf32, #tpu.memory_space<vmem>>, vector<256x64xf32>
    %get3A_2 = arith.constant 0 : index
    %get3A_3 = arith.constant 0 : index
    %get3A_4 = vector.load %arg1[%get3A_2, %get3A_3] : memref<1024x64xf32, #tpu.memory_space<vmem>>, vector<1024x64xf32>
    %dot_general3A = arith.constant dense<0.000000e+00> : vector<256x1024xf32>
    %dot_general3A_5 = tpu.matmul %get3A_1, %get3A_4, %dot_general3A {dimension_numbers = #tpu.dot_dimension_numbers<[1], [1], [0], [0], [0, 0, 1, 0], [], []>, transpose_lhs_hint = false} : vector<256x64xf32>, vector<1024x64xf32>, vector<256x1024xf32> -> vector<256x1024xf32>
    %swap3A = arith.constant 0 : index
    %swap3A_6 = arith.constant 0 : index
    %swap3A_7 = vector.load %arg2[%swap3A, %swap3A_6] : memref<256x1024xf32, #tpu.memory_space<vmem>>, vector<256x1024xf32>
    tpu.vector_store %arg2[%swap3A, %swap3A_6], %dot_general3A_5 {strides = array<i32>} : memref<256x1024xf32, #tpu.memory_space<vmem>>, vector<256x1024xf32>,
    return
  }
}

</mosaic_0001>

<sc_bundles>
// kernel: kernel.7.cloned.1.call-start
scs
__scs_entry_jumppad:
0x0: {  	(pc) =	sbr.rel $0x88, $3  }
0x1: {  	(tag) =	ssettag $0x0;
	lr =	simm.s32 $0x1  }
0x2: {  	[smem:$0x3F9D] =	sst lr;
	_ =	strace $0xD0000000  }
0x3: {  	_ = 	snop  }
0x4: {  	_ = 	snop  }
0x5: {  	_ = 	snop  }
0x6: {  	_ = 	snop  }
0x7: {  	_ = 	snop  }
__scs_overlays_trampoline_lowered:
0x8: {  	[smem:$0x3FAC] =	sst s0  }
0x9: {  	[smem:$0x3FAD] =	sst s1  }
0xa: {  	[smem:$0x3FAE] =	sst s2  }
0xb: {  	[smem:$0x3FAF] =	sst s3  }
0xc: {  	[smem:$0x3FB0] =	sst s4  }
0xd: {  	[smem:$0x3FB1] =	sst s5  }
0xe: {  	[smem:$0x3FB2] =	sst s6  }
0xf: {  	[smem:$0x3FB3] =	sst s7  }
0x10: {  	[smem:$0x3FB4] =	sst s8  }
0x11: {  	[smem:$0x3FB5] =	sst s9;
	s0 =	simm.s32 @!p0 $0x0  }
0x12: {  	s1 =	sld [smem:$0x3F9B];
	s0 =	simm.s32 @p0 $0x1  }
0x13: {  	[smem:$0x3FB6] =	sst s0;
	s0 =	simm.s32 @!p1 $0x0  }
0x14: {  	s2 =	sld [smem:$0x3F9A];
	s0 =	simm.s32 @p1 $0x1  }
0x15: {  	[smem:$0x3FB7] =	sst s0;
	s0 =	simm.s32 @!p2 $0x0  }
0x16: {  	s3 =	sld [smem:$0x3FDB];
	s0 =	simm.s32 @p2 $0x1  }
0x17: {  	s4 =	simm.s32 $0x1BF5;
	[smem:$0x3FB9] =	sst s0  }
0x18: {  	s0 =	sld [smem:$0x3F9C];
	_ =	swait.ge [sflag:s4], $0x0  }
0x19: {  	s7 =	sld [smem:$0x3F9D]  }
0x1a: {  	s8 =	sadd.s32 $0xFFFFE003, lr  }
0x1b: {  	s9 =	sadd.s32 $0xFFFFFEF7, lr;
	s5 =	simm.s32 $0xFFFFFFFF;
	p2 =	slt.u32 s8, $0xFFFFF086  }
0x1c: {  	p1 =	slt.u32 s9, $0xF7A;
	s5 =	simm.s32 @!p2 $0x0  }
0x1d: {  	s5 =	simm.s32 @p1 $0x1;
	p0 =	seq.s32 s7, s2  }
0x1e: {  	s7 =	smul.u32 @!p0 $0xF7A, s2;
	p2 =	seq.s32 @!p0 s5, $0x0  }
0x1f: {  	s9 =	smul.u32 $0xF7A, s1;
	s8 =	simm.s32 @!p0 $0x1BF5;
	p2 =	por !p2, p0  }
0x20: {  	[sflag:s8] =	ssyncset.s32 @!p0 $0xFFFFF086;
	s6 =	sadd.s32 @!p0 s3, s7;
	s7 =	simm.s32 @!p0 $0x108  }
0x21: {  	s3 =	sadd.s32 s3, s9;
	s6 =	sadd.s32 @!p0 $0x88, s6;
	s7 =	simm.s32 @p2 $0x1082  }
0x22: {  	[simem:s7], [sflag:s8] =	dma.local @!p0 [hbm:s6], $0xF7A  }
0x23: {  	s9 =	sor.u32 $0xD0000000, s2;
	s6 =	simm.s32 $0x108;
	_ =	swait.ge @!p0 [sflag:s8], $0x0  }
0x24: {  	s3 =	sadd.s32 $0x88, s3;
	s6 =	simm.s32 @!p1 $0x1082;
	[sflag:s4] =	ssyncset.s32 $0xFFFFF086  }
0x25: {  	[simem:s6], [sflag:s4] =	dma.local [hbm:s3], $0xF7A  }
0x26: {  	[smem:$0x3F9D] =	sst s1;
	(tag) =	ssettag s2;
	_ =	strace s9  }
0x27: {  	s1 =	sld [smem:$0x3FAD]  }
0x28: {  	s2 =	sld [smem:$0x3FAE]  }
0x29: {  	s4 =	sld [smem:$0x3FB0]  }
0x2a: {  	p0 =	seq.s32 s5, $0x0;
	s5 =	sld [smem:$0x3FB1]  }
0x2b: {  	s6 =	sld [smem:$0x3FB2]  }
0x2c: {  	s7 =	sld [smem:$0x3FB3]  }
0x2d: {  	s3 =	simm.s32 $0x108;
	s8 =	sld [smem:$0x3FB4]  }
0x2e: {  	s3 =	simm.s32 @!p0 $0x1082;
	s9 =	sld [smem:$0x3FB5]  }
0x2f: {  	lr =	sadd.s32 s0, s3;
	s0 =	sld [smem:$0x3FAC]  }
0x30: {  	s3 =	sld [smem:$0x3FAF]  }
0x31: {  	[smem:$0x3FB8] =	sst s10  }
0x32: {  	s10 =	sld [smem:$0x3FB6];
	_ =	sdelay $0x3  }
0x33: {  	p0 =	seq.s32 s10, $0x1;
	s10 =	sld [smem:$0x3FB8];
	_ =	sdelay $0x3  }
0x34: {  	[smem:$0x3FB8] =	sst s10  }
0x35: {  	s10 =	sld [smem:$0x3FB7];
	_ =	sdelay $0x3  }
0x36: {  	p1 =	seq.s32 s10, $0x1;
	s10 =	sld [smem:$0x3FB8];
	_ =	sdelay $0x3  }
0x37: {  	[smem:$0x3FB8] =	sst s10  }
0x38: {  	s10 =	sld [smem:$0x3FB9]  }
0x39: {  	_ = 	snop;
	(pc) =	sbr.ind lr, $3  }
0x3a: {  	_ = 	snop  }
0x3b: {  	_ = 	snop  }
0x3c: {  	p2 =	seq.s32 s10, $0x1;
	s10 =	sld [smem:$0x3FB8]  }
0x3d: {  	_ =	shalt  }
0x3e: {  	_ =	shalt  }
0x3f: {  	_ =	shalt  }
0x40: {  	_ =	shalt  }
0x41: {  	_ =	shalt  }
0x42: {  	_ =	shalt  }
0x43: {  	_ =	shalt  }
0x44: {  	_ =	shalt  }
0x45: {  	_ =	shalt  }
0x46: {  	_ =	shalt  }
0x47: {  	_ =	shalt  }
0x48: {  	_ =	shalt  }
0x49: {  	_ =	shalt  }
0x4a: {  	_ =	shalt  }
0x4b: {  	_ =	shalt  }
0x4c: {  	_ =	shalt  }
0x4d: {  	_ =	shalt  }
0x4e: {  	_ =	shalt  }
0x4f: {  	_ =	shalt  }
0x50: {  	_ =	shalt  }
0x51: {  	_ =	shalt  }
0x52: {  	_ =	shalt  }
0x53: {  	_ =	shalt  }
0x54: {  	_ =	shalt  }
0x55: {  	_ =	shalt  }
0x56: {  	_ =	shalt  }
0x57: {  	_ =	shalt  }
0x58: {  	_ =	shalt  }
0x59: {  	_ =	shalt  }
0x5a: {  	_ =	shalt  }
0x5b: {  	_ =	shalt  }
0x5c: {  	_ =	shalt  }
0x5d: {  	_ =	shalt  }
0x5e: {  	_ =	shalt  }
0x5f: {  	_ =	shalt  }
0x60: {  	_ =	shalt  }
0x61: {  	_ =	shalt  }
0x62: {  	_ =	shalt  }
0x63: {  	_ =	shalt  }
0x64: {  	_ =	shalt  }
0x65: {  	_ =	shalt  }
0x66: {  	_ =	shalt  }
0x67: {  	_ =	shalt  }
0x68: {  	_ =	shalt  }
0x69: {  	_ =	shalt  }
0x6a: {  	_ =	shalt  }
0x6b: {  	_ =	shalt  }
0x6c: {  	_ =	shalt  }
0x6d: {  	_ =	shalt  }
0x6e: {  	_ =	shalt  }
0x6f: {  	_ =	shalt  }
0x70: {  	_ =	shalt  }
0x71: {  	_ =	shalt  }
0x72: {  	_ =	shalt  }
0x73: {  	_ =	shalt  }
0x74: {  	_ =	shalt  }
0x75: {  	_ =	shalt  }
0x76: {  	_ =	shalt  }
0x77: {  	_ =	shalt  }
0x78: {  	_ =	shalt  }
0x79: {  	_ =	shalt  }
0x7a: {  	_ =	shalt  }
0x7b: {  	_ =	shalt  }
0x7c: {  	_ =	shalt  }
0x7d: {  	_ =	shalt  }
0x7e: {  	_ =	shalt  }
0x7f: {  	_ =	shalt  }
0x80: {  	_ =	shalt  }
0x81: {  	_ =	shalt  }
0x82: {  	_ =	shalt  }
0x83: {  	_ =	shalt  }
0x84: {  	_ =	shalt  }
0x85: {  	_ =	shalt  }
0x86: {  	_ =	shalt  }
0x87: {  	_ =	shalt  }
.Lfunc_end0:
.L_simem_size_0:
called_computation_lowered:
.L_overlay_start_0:
0x88: {  	s2 =	sld [smem:$0x3FD9]  }
0x89: {  	s3 =	sld [smem:$0x3FFE];
	_ =	sdelay $0x1  }
0x8a: {  	s1 =	srdreg.scid  }
0x8b: {  	s0 =	sand.u32 $0x1, s1  }
0x8c: {  	s17 =	sshll.u32 s0, $0xA;
	s2 =	sadd.s32 s3, s2  }
0x8d: {  	s2 =	sadd.s32 s2, s17  }
0x8e: {  	[smem:$0x3FC4] =	sst s2  }
0x8f: {  	_ = 	snop  }
0x90: {  	s2 =	sld [smem:$0x3FD0];
	(tm) =	ssettm $0x1  }
0x91: {  	s18 =	sld [smem:$0x3FFB];
	_ =	sdelay $0x3  }
0x92: {  	_ =	strace s18  }
0x93: {  	s3 =	sld [smem:$0x3FFC];
	_ =	sdelay $0x3  }
0x94: {  	_ =	strace s3  }
0x95: {  	s3 =	sld [smem:$0x3FFD];
	_ =	sdelay $0x3  }
0x96: {  	_ =	strace s3  }
0x97: {  	_ =	strace $0x8FFFFFFF  }
0x98: {  	s19 =	sld [smem:$0x3FDB];
	_ =	sdelay $0x1  }
0x99: {  	s4 =	simm.s32 $_scs_section_size  }
0x9a: {  	s5 =	simm.s32 $_size__tile_overlayer_lowered;
	s6 =	simm.s32 $_tile_overlayer_lowered  }
0x9b: {  	s22 =	simm.s32 $0x1BFF;
	s21 =	sshll.u32 s6, $0x1;
	s3 =	sadd.s32 s4, s19  }
0x9c: {  	s7 =	simm.s32 $0x0;
	s20 =	sshll.u32 s5, $0x1;
	s5 =	sadd.s32 s21, s3  }
0x9d: {  	[timem:s7], [sflag:s22] =	dma.local [hbm:s5], s20  }
0x9e: {  	_ =	swait.ge [sflag:s22], s20  }
0x9f: {  	s4 =	ssub.s32 $0x0, s20;
	[sflag:s22] =	ssyncset.done $0x0  }
0xa0: {  	[sflag:s22] =	ssyncadd.s32 s4;
	_ =	sdelay $0x1  }
0xa1: {  	s23 =	simm.s32 $0x1B8B  }
0xa2: {  	_ =	swait.ge [sflag:s23], $0x1  }
0xa3: {  	[sflag:s23] =	ssyncset.done $0x0  }
0xa4: {  	s25 =	simm.s32 $0x1B8E;
	s24 =	sld [smem:$0x3FFE];
	[sflag:s23] =	ssyncadd.s32 $0xFFFFFFFF  }
0xa5: {  	s26 =	simm.s32 $execute0_lowered;
	[smem:$0x3FD2] =	sst s25  }
0xa6: {  	s5 =	sshll.u32 s26, $0x1;
	_ =	strace $0x80000046;
	[dreg:$0x1] =	wrdreg $0xFFFFFFFF  }
0xa7: {  	s28 =	simm.s32 $_size_execute0_lowered;
	s3 =	sadd.s32 s3, s5;
	[dreg:$0x0] =	wrdreg $0x0  }
0xa8: {  	s5 =	sshll.u32 s28, $0x1;
	[dreg:$0x2] =	wrdreg s3  }
0xa9: {  	[dreg:$0x3] =	wrdreg s5  }
0xaa: {  	[dreg:$0x4] =	wrdreg $0xC0  }
0xab: {  	_ =	task [dreg:s7], $0x5FFFF  }
0xac: {  	[dreg:$0x1] =	wrdreg $0xFFFFFFFF  }
0xad: {  	[dreg:$0x0] =	wrdreg $0x60  }
0xae: {  	[dreg:$0x2] =	wrdreg s24  }
0xaf: {  	[dreg:$0x3] =	wrdreg s2  }
0xb0: {  	[dreg:$0x4] =	wrdreg $0x9  }
0xb1: {  	_ =	task.clear_ibuf [dreg:s7], $0x5FFFF;
	_ =	strace $0x90000046  }
0xb2: {  	s29 =	simm.s32 $0x9;
	_ =	strace $0x80000048  }
0xb3: {  	_ =	swait.ge [sflag:s29], $0x1  }
0xb4: {  	[sflag:s29] =	ssyncadd.s32 $0xFFFFFFFF  }
0xb5: {  	_ =	strace $0x90000048  }
0xb6: {  	_ =	sfence  }
0xb7: {  	s30 =	sld [smem:$0x0];
	_ =	sdelay $0x2  }
0xb8: {  	s31 =	sshll.u32 s1, $0xD;
	s1 =	sshrl.u32 s1, $0x2  }
0xb9: {  	s3 =	sand.u32 $0x4000, s31;
	s1 =	sadd.s32 s1, s30  }
0xba: {  	s0 =	sor.u32 s3, s0;
	s1 =	sshll.u32 s1, $0x11  }
0xbb: {  	s0 =	sor.u32 s1, s0  }
0xbc: {  	s0 =	sadd.s32 $0x8F2B, s0  }
0xbd: {  	[sflag:s0] =	ssyncadd.remote.s32 $0x1  }
0xbe: {  	_ =	sfence.sel $0xFFFF  }
0xbf: {  	[dreg:$0x0] =	wrdreg $0xFFFFFFFF;
	(pc) =	sbr.abs _section_cstart, $3  }
0xc0: {  	[dreg:$0x1] =	wrdreg $0xFFFFFFFF  }
0xc1: {  	_ =	task.clear_ibuf [dreg:s7], $0x2FFFF;
	_ =	strace $0x9FFFFFFF  }
0xc2: {  	(tm) =	ssettm $0x7FFFFFFF  }
0xc3: {  	_ =	shalt  }
tec
execute0_lowered:
.L_overlay_start_1:
0x0: {  	(tag) =	ssettag $0x1  }
0x1: {  	s1 =	srdreg.scid  }
0x2: {  	s0 =	stileid.u32;
	s6 =	sand.u32 $0x1, s1  }
0x3: {  	s5 =	rddreg [dreg:$0x0];
	s30 =	sshll.u32 s0, $0x4;
	s2 =	sshll.u32 s6, $0x3  }
0x4: {  	s8 =	rddreg [dreg:$0x1];
	s9 =	sor.u32 s2, s30  }
0x5: {  	s1 =	rddreg [dreg:$0x2];
	s2 =	simm.s32 $0x0;
	s3 =	sshrl.u32 s9, $0x3  }
0x6: {  	s10 =	ssub.s32 $0x2, s6;
	[smem:$0x7FF] =	sst s2;
	s3 =	sadd.s32 s3, s5  }
0x7: {  	_ =	strace $0x80000047;
	s4 =	sadd.s32 $0x400, s3;
	s3 =	simm.s32 $0x2  }
0x8: {  	[tilespmem:s2], [sflag:$0x2] =	stream.linear.gather [hbm4b:s4+s2], $0x8, $0x38;
	[tilespmem:$0x208] =	vst v63  }
0x9: {  	s7 =	simm.s32 $0x1;
	s11 =	sshrl.u32 s10, $0x1;
	_ =	swait.ge [sflag:s3], $0x8  }
0xa: {  	s6 =	simm.s32 $0x8;
	s10 =	ssub.s32 s10, s11;
	[sflag:s3] =	ssyncset.done $0x0  }
0xb: {  	s5 =	sadd.s32 $0xF42A00, s5;
	s31 =	smax.u32 s10, $0x1;
	[sflag:s3] =	ssyncadd.s32 $0xFFFFFFF8  }
0xc: {  	[tilespmem:s6], [sflag:$0x1] =	stream.indirect.gather [hbm4b:s5+s6], $0x40, s2, s6, $0xb8;
	[tilespmem:$0x208] =	vst v63  }
0xd: {  	p0 =	sne.s32 s31, $0x1;
	_ =	swait.ge [sflag:s7], $0x200  }
.Ltmp0:
0xe: {  	s9 =	sshll.u32 s9, $0x3;
	[sflag:s7] =	ssyncset.done $0x0;
	(pc) =	sbr.rel @!p0 .LBB2_2-.Ltmp0, $4  }
0xf: {  	s8 =	sadd.s32 s8, s9;
	[sflag:s7] =	ssyncadd.s32 $0xFFFFFE00  }
0x10: {  	[hbm4b:s8+s2] =	stream.linear.scatter [tilespmem:s6], [sflag:$0x2], $0x200, $0x38;
	[tilespmem:$0x208] =	vst v63  }
0x11: {  	_ =	swait.ge [sflag:s3], $0x200  }
0x12: {  	s9 =	sadd.s32 $0xFFFFFFFF, s31;
	[sflag:s3] =	ssyncset.done $0x0  }
.LBB2_1:
0x13: {  	p0 =	sne.s32 s9, $0x1;
	s9 =	sadd.s32 $0xFFFFFFFF, s9;
	[sflag:s3] =	ssyncadd.s32 $0xFFFFFE00  }
0x14: {  	[tilespmem:s2], [sflag:$0x2] =	stream.linear.gather [hbm4b:s4+s2], $0x8, $0x38;
	[tilespmem:$0x208] =	vst v63  }
0x15: {  	_ =	swait.ge [sflag:s3], $0x8  }
0x16: {  	[sflag:s3] =	ssyncset.done $0x0  }
0x17: {  	[sflag:s3] =	ssyncadd.s32 $0xFFFFFFF8  }
0x18: {  	[tilespmem:s6], [sflag:$0x1] =	stream.indirect.gather [hbm4b:s5+s6], $0x40, s2, s6, $0xb8;
	[tilespmem:$0x208] =	vst v63  }
0x19: {  	_ =	swait.ge [sflag:s7], $0x200  }
.Ltmp1:
0x1a: {  	[sflag:s7] =	ssyncset.done $0x0;
	(pc) =	sbr.rel @p0 .LBB2_1-.Ltmp1, $4  }
0x1b: {  	[sflag:s7] =	ssyncadd.s32 $0xFFFFFE00  }
0x1c: {  	[hbm4b:s8+s2] =	stream.linear.scatter [tilespmem:s6], [sflag:$0x2], $0x200, $0x38;
	[tilespmem:$0x208] =	vst v63  }
0x1d: {  	_ =	swait.ge [sflag:s3], $0x200  }
0x1e: {  	[sflag:s3] =	ssyncset.done $0x0  }
.LBB2_2:
0x1f: {  	[sflag:s3] =	ssyncadd.s32 $0xFFFFFE00  }
0x20: {  	_ =	sfence.sel $0x180000  }
0x21: {  	[bflag:$0x0] =	sbarrier.arrive $0xFFFF  }
0x22: {  	p0 =	sne.s32 s0, $0x0;
	_ =	strace $0x90000047  }
0x23: {  	s0 =	sadd.s32 @!p0 $0x100000, s1;
	[bflag:$0x2] =	sbarrier.arrive $0xFFFF  }
0x24: {  	[sflag:s0] =	ssyncadd.tile.s32 @!p0 $0x1;
	_ =	shalt  }
.Lfunc_end2:
_tile_overlayer_lowered:
.L_overlay_start_2:
0x25: {  	(tag) =	ssettag $0x2  }
0x26: {  	s0 =	rddreg [dreg:$0x0];
	s2 =	stileid.u32  }
0x27: {  	s1 =	rddreg [dreg:$0x1];
	p0 =	sne.s32 s2, $0x0  }
0x28: {  	s3 =	rddreg [dreg:$0x2];
	[bflag:$0x3] =	sbarrier.arrive $0xFFFF;
	s2 =	simm.s32 @!p0 $0x1C02  }
0x29: {  	[timem:s3], [sflag:s2] =	dma.local @!p0 [hbm:s0], s1  }
0x2a: {  	s0 =	simm.s32 @!p0 $0x2  }
0x2b: {  	_ =	swait.ge @!p0 [sflag:s0], s1  }
0x2c: {  	s1 =	ssub.s32 @!p0 $0x0, s1;
	[sflag:s0] =	ssyncset.done @!p0 $0x0  }
0x2d: {  	[sflag:s0] =	ssyncadd.s32 @!p0 s1  }
0x2e: {  	[bflag:$0x3] =	sbarrier.arrive $0xFFFF  }
0x2f: {  	_ =	shalt  }

</sc_bundles>
